<compile_context>
chip_gen: v7x
topology: tpu7x:2x2x1
jax: 0.10.2.dev20260603
libtpu: 0.0.44.dev20260713+nightly
codegen_flags: <defaults>
</compile_context>

<pallas_src>
import functools

import jax
import jax.numpy as jnp
from jax import lax
from jax.experimental import pallas as pl
from jax.experimental.pallas import tpu as pltpu
from jax.experimental.pallas import tpu_sc as plsc

IN_C = 128
OUT_C = 128
HID = 256
NX = 8
NY = 8
NB = 4
NSEG = NB * NX * NY
N = 50000
NPAD = 50176
BLK = 512
NGRID = NPAD // BLK
NC = 2
NS = 16
NW = NC * NS
RPW = NPAD // NW
SB = 112
NBLK = RPW // SB
UW = 384


NREP = NW


def _src_pool_body(ct_ref, bt_ref, x_ref, w1_ref, b1_ref, w2_ref, b2_ref,
                   w3p_ref, tblp_ref, sums_ref):
    i = pl.program_id(0)
    u = jnp.dot(x_ref[...], w1_ref[...], preferred_element_type=jnp.float32)
    u = jax.nn.gelu(u + b1_ref[...])
    ct = ct_ref[...]
    bt = bt_ref[...]
    cx = jnp.clip(jnp.floor(ct[0:1] * NX).astype(jnp.int32), 0, NX - 1)
    cy = jnp.clip(jnp.floor(ct[1:2] * NY).astype(jnp.int32), 0, NY - 1)
    seg = bt * (NX * NY) + cx * NY + cy
    lane = jax.lax.broadcasted_iota(jnp.int32, (NSEG, BLK), 1)
    oht = jnp.where(
        (seg == jax.lax.broadcasted_iota(jnp.int32, (NSEG, BLK), 0))
        & (i * BLK + lane < N), 1.0, 0.0)
    contrib = jnp.dot(oht, u,
                      preferred_element_type=jnp.float32)
    cnt = jnp.sum(oht, axis=1, keepdims=True)

    @pl.when(i == 0)
    def _():
        sums_ref[:, 0:HID] = contrib
        sums_ref[:, HID:HID + 1] = cnt

    @pl.when(i > 0)
    def _():
        sums_ref[:, 0:HID] += contrib
        sums_ref[:, HID:HID + 1] += cnt

    @pl.when(i == NGRID - 1)
    def _():
        full = sums_ref[...]
        su = full[:, 0:HID]
        cnt0 = full[:, HID:HID + 1]
        m = jnp.dot(su, w2_ref[...], preferred_element_type=jnp.float32)
        m = m + cnt0 * b2_ref[...]
        pooled = m / jnp.maximum(cnt0, 1.0)
        tbl = jnp.dot(pooled, w3p_ref[...],
                      preferred_element_type=jnp.float32)
        HH = HID // 2
        bits = jax.lax.bitcast_convert_type(tbl, jnp.uint32)
        half = jnp.uint32(0x8000)
        hi = (bits[:, 0:HH] + half) & jnp.uint32(0xFFFF0000)
        lo = (bits[:, HH:HID] + half) >> 16
        packed = jax.lax.bitcast_convert_type(hi | lo, jnp.int32)
        rep = jnp.broadcast_to(packed[None], (NREP, NSEG, HH))
        tblp_ref[...] = rep.reshape(NREP * NSEG, HH)


_src_pool = pl.pallas_call(
    _src_pool_body,
    grid=(NGRID,),
    in_specs=[
        pl.BlockSpec((2, BLK), lambda i: (0, i)),
        pl.BlockSpec((1, BLK), lambda i: (0, i)),
        pl.BlockSpec((BLK, IN_C), lambda i: (i, 0)),
        pl.BlockSpec((IN_C, HID), lambda i: (0, 0)),
        pl.BlockSpec((1, HID), lambda i: (0, 0)),
        pl.BlockSpec((HID, HID), lambda i: (0, 0)),
        pl.BlockSpec((1, HID), lambda i: (0, 0)),
        pl.BlockSpec((HID, HID), lambda i: (0, 0)),
    ],
    out_specs=[
        pl.BlockSpec((NREP * NSEG, HID // 2), lambda i: (0, 0)),
        pl.BlockSpec((NSEG, UW), lambda i: (0, 0)),
    ],
    out_shape=[
        jax.ShapeDtypeStruct((NREP * NSEG, HID // 2), jnp.int32),
        jax.ShapeDtypeStruct((NSEG, UW), jnp.float32),
    ],
    compiler_params=pltpu.CompilerParams(dimension_semantics=("arbitrary",)),
)


@functools.lru_cache(maxsize=None)
def _make_sc_gather():
    mesh = plsc.VectorSubcoreMesh(core_axis_name="c", subcore_axis_name="s")

    @functools.partial(
        pl.kernel,
        mesh=mesh,
        out_type=[
            jax.ShapeDtypeStruct((NPAD, HID // 2), jnp.int32),
        ],
    scratch_types=[
            pltpu.VMEM((NBLK, SB), jnp.int32),
            pltpu.VMEM((SB, HID // 2), jnp.int32),
            pltpu.VMEM((SB, HID // 2), jnp.int32),
            pltpu.SemaphoreType.DMA,
            pltpu.SemaphoreType.DMA,
            pltpu.SemaphoreType.DMA,
            pltpu.SemaphoreType.DMA,
        ],
    )
    def _sc_gather(tbl_hbm, idx_hbm, g_out,
                   idx_v, rows_a, rows_b, gsem_a, gsem_b, ssem_a, ssem_b):
        c = lax.axis_index("c")
        s = lax.axis_index("s")
        w = s * NC + c
        pltpu.sync_copy(idx_hbm.at[w], idx_v)
        idx_v[...] = idx_v[...] + w * NSEG
        base = w * RPW
        bufs = (rows_a, rows_b)
        gsems = (gsem_a, gsem_b)
        ssems = (ssem_a, ssem_b)
        gath = pltpu.async_copy(tbl_hbm.at[idx_v.at[0]], rows_a, gsem_a)
        scat = [None, None]
        for j in range(NBLK):
            if j + 1 < NBLK:
                b = (j + 1) % 2
                if scat[b] is not None:
                    scat[b].wait()
                    scat[b] = None
                nxt = pltpu.async_copy(tbl_hbm.at[idx_v.at[j + 1]],
                                       bufs[b], gsems[b])
            gath.wait()
            scat[j % 2] = pltpu.async_copy(
                bufs[j % 2], g_out.at[pl.ds(base + j * SB, SB)],
                ssems[j % 2])
            if j + 1 < NBLK:
                gath = nxt
        for a in scat:
            if a is not None:
                a.wait()

    return _sc_gather


def _tgt_mlp_body(g_ref, c_ref, w3c_ref, b3_ref, w4_ref, b4_ref,
                  o_ref):
    cc = c_ref[...]
    w3c = w3c_ref[...]
    HH = HID // 2
    ct = cc[:, 0:1] * w3c[0:1, :] + cc[:, 1:2] * w3c[1:2, :]
    b3 = b3_ref[...]
    bits = jax.lax.bitcast_convert_type(g_ref[...], jnp.uint32)
    g1 = jax.lax.bitcast_convert_type(bits & jnp.uint32(0xFFFF0000),
                                      jnp.float32)
    g2 = jax.lax.bitcast_convert_type(bits << 16, jnp.float32)
    h1 = jax.nn.gelu(g1 + ct[:, 0:HH] + b3[:, 0:HH])
    h2 = jax.nn.gelu(g2 + ct[:, HH:HID] + b3[:, HH:HID])
    w4 = w4_ref[...]
    o_ref[...] = (jnp.dot(h1, w4[0:HH], preferred_element_type=jnp.float32)
                  + jnp.dot(h2, w4[HH:HID],
                            preferred_element_type=jnp.float32)
                  + b4_ref[...])


_tgt_mlp = pl.pallas_call(
    _tgt_mlp_body,
    grid=(NGRID,),
    in_specs=[
        pl.BlockSpec((BLK, HID // 2), lambda i: (i, 0)),
        pl.BlockSpec((BLK, 2), lambda i: (i, 0)),
        pl.BlockSpec((2, HID), lambda i: (0, 0)),
        pl.BlockSpec((1, HID), lambda i: (0, 0)),
        pl.BlockSpec((HID, OUT_C), lambda i: (0, 0)),
        pl.BlockSpec((1, OUT_C), lambda i: (0, 0)),
    ],
    out_specs=pl.BlockSpec((BLK, OUT_C), lambda i: (i, 0)),
    out_shape=jax.ShapeDtypeStruct((N, OUT_C), jnp.float32),
    compiler_params=pltpu.CompilerParams(dimension_semantics=("parallel",)),
)


def _clusters(coords, batch):
    cx = jnp.clip(jnp.floor(coords[:, 0] * NX).astype(jnp.int32), 0, NX - 1)
    cy = jnp.clip(jnp.floor(coords[:, 1] * NY).astype(jnp.int32), 0, NY - 1)
    return batch.astype(jnp.int32) * (NX * NY) + cx * NY + cy


def kernel(x, src_coords, src_batch, tgt_coords, tgt_batch,
           W1, b1, W2, b2, W3, b3, W4, b4):
    tgt_sub = _clusters(tgt_coords, tgt_batch)
    tgt_idx = jnp.zeros((NPAD,), jnp.int32).at[:N].set(tgt_sub)
    tgt_idx3 = tgt_idx.reshape(NW, NBLK, SB)

    cT = src_coords.T
    bT = src_batch.astype(jnp.int32).reshape(1, N)
    tblp, _ = _src_pool(cT, bT, x, W1, b1.reshape(1, HID),
                        W2, b2.reshape(1, HID), W3[2:])
    (g,) = _make_sc_gather()(tblp, tgt_idx3)
    out = _tgt_mlp(g, tgt_coords, W3[:2], b3.reshape(1, HID),
                   W4, b4.reshape(1, OUT_C))
    return out

# --- scband reference (transcript-rebuilt; emitter-appended) ---
"""Pipeline reference for scband-ddoperator-86766929314317 (READ-ONLY COPY).

The authoritative reference and input builder live on the scoring server;
editing this copy changes nothing except your own understanding.
"""

import jax, jax.numpy as jnp
import numpy as np

IN_C = 128
OUT_C = 128
HID = 256
NX = 8
NY = 8
NB = 4
N_SRC = 50000
N_TGT = 50000
NUM_SEG = NB * NX * NY


def compute_clusters(coords, batch, nx, ny):
    cx = jnp.clip(jnp.floor(coords[:, 0] * nx).astype(jnp.int32), 0, nx - 1)
    cy = jnp.clip(jnp.floor(coords[:, 1] * ny).astype(jnp.int32), 0, ny - 1)
    return batch.astype(jnp.int32) * (nx * ny) + cx * ny + cy


def setup_inputs(seed: int = 0) -> dict:
    key = jax.random.key(seed)
    ks = jax.random.split(key, 10)
    x = jax.random.normal(ks[0], (N_SRC, IN_C), dtype=jnp.float32)
    src_coords = jax.random.uniform(ks[1], (N_SRC, 2), dtype=jnp.float32)
    src_batch = jnp.sort(jax.random.randint(ks[2], (N_SRC,), 0, NB)).astype(jnp.int64)
    tgt_coords = jax.random.uniform(ks[3], (N_TGT, 2), dtype=jnp.float32)
    tgt_batch = jnp.sort(jax.random.randint(ks[4], (N_TGT,), 0, NB)).astype(jnp.int64)

    def lin(k, fi, fo):
        return (jax.random.normal(k, (fi, fo), dtype=jnp.float32) / np.sqrt(fi)).astype(jnp.float32)

    W1 = lin(ks[5], IN_C, HID)
    b1 = jnp.zeros((HID,), dtype=jnp.float32)
    W2 = lin(ks[6], HID, HID)
    b2 = jnp.zeros((HID,), dtype=jnp.float32)
    W3 = lin(ks[7], 2 + HID, HID)
    b3 = jnp.zeros((HID,), dtype=jnp.float32)
    W4 = lin(ks[8], HID, OUT_C)
    b4 = jnp.zeros((OUT_C,), dtype=jnp.float32)
    return {"x": x, "src_coords": src_coords, "src_batch": src_batch,
            "tgt_coords": tgt_coords, "tgt_batch": tgt_batch,
            "W1": W1, "b1": b1, "W2": W2, "b2": b2,
            "W3": W3, "b3": b3, "W4": W4, "b4": b4}


def reference(x, src_coords, src_batch, tgt_coords, tgt_batch,
              W1, b1, W2, b2, W3, b3, W4, b4):
    # cluster assignment (compute_clusters)
    src_sub = compute_clusters(src_coords, src_batch, NX, NY)
    tgt_sub = compute_clusters(tgt_coords, tgt_batch, NX, NY)
    # op_v: Linear -> GELU -> Linear on source features
    v = jnp.dot(x, W1) + b1
    v = jax.nn.gelu(v)
    v = jnp.dot(v, W2) + b2
    # subdomain integral: mean-pool op_v(x) over each source subdomain (scatter-add)
    sums = jax.ops.segment_sum(v, src_sub, num_segments=NUM_SEG)
    cnt = jax.ops.segment_sum(jnp.ones((v.shape[0], 1), dtype=v.dtype), src_sub, num_segments=NUM_SEG)
    pooled = sums / jnp.maximum(cnt, 1.0)
    # gather pooled subdomain feature for each target point
    g = jnp.take(pooled, tgt_sub, axis=0)
    # op_tgt kernel on [tgt_coords(2) || pooled(hidden)]
    h = jnp.concatenate([tgt_coords, g], axis=-1)
    h = jnp.dot(h, W3) + b3
    h = jax.nn.gelu(h)
    out = jnp.dot(h, W4) + b4
    return out

if __name__ == "__main__":
    import jax
    _d = setup_inputs()
    print(jax.jit(kernel)(*tuple(_d.values())))

</pallas_src>

<mosaic_0001>
#map = affine_map<(d0, d1) -> (0, 0)>
#map1 = affine_map<(d0, d1) -> (0, 0, 0)>
module attributes {stable_mosaic.version = 14 : i64} {
  func.func @_sc_gather(%arg0: i32, %arg1: i32, %arg2: memref<8192x128xi32, #tpu.memory_space<hbm>>, %arg3: memref<32x14x112xi32, #tpu.memory_space<hbm>>, %arg4: memref<50176x128xi32, #tpu.memory_space<hbm>>, %arg5: memref<14x112xi32, #tpu.memory_space<vmem>>, %arg6: memref<112x128xi32, #tpu.memory_space<vmem>>, %arg7: memref<112x128xi32, #tpu.memory_space<vmem>>, %arg8: memref<!tpu.dma_semaphore, #tpu.memory_space<semaphore_mem>>, %arg9: memref<!tpu.dma_semaphore, #tpu.memory_space<semaphore_mem>>, %arg10: memref<!tpu.dma_semaphore, #tpu.memory_space<semaphore_mem>>, %arg11: memref<!tpu.dma_semaphore, #tpu.memory_space<semaphore_mem>>) attributes {dimension_semantics = [#tpu.dimension_semantics<core_parallel>, #tpu.dimension_semantics<subcore_parallel>], iteration_bounds = array<i64: 2, 16>, scalar_prefetch = 0 : i64, scratch_operands = 7 : i64, tpu.core_type = #tpu.core_type<sc_vector_subcore>, window_params = [{transform_indices = #map}, {transform_indices = #map1}, {transform_indices = #map}]} {
    %mul3A = arith.constant 2 : i32
    %mul3A_0 = arith.muli %arg1, %mul3A : i32
    %add3A = arith.addi %mul3A_0, %arg0 : i32
    "tpu.region"() ({
      %run_scoped3A = tpu.sem_alloc : memref<!tpu.dma_semaphore, #tpu.memory_space<semaphore_mem>>
      %dma_start3A_348 = arith.constant 0 : i32
      %dma_start3A_349 = arith.constant 0 : i32
      %dma_start3A_350 = tpu.memref_slice %arg3[%add3A, %dma_start3A_348, %dma_start3A_349] : memref<32x14x112xi32, #tpu.memory_space<hbm>> -> memref<1x14x112xi32, #tpu.memory_space<hbm>>
      %dma_start3A_351 = tpu.memref_squeeze %dma_start3A_350 : memref<1x14x112xi32, #tpu.memory_space<hbm>> -> memref<14x112xi32, #tpu.memory_space<hbm>>
      %dma_start3A_352 = arith.constant 0 : i32
      %dma_start3A_353 = arith.constant 0 : i32
      %dma_start3A_354 = tpu.memref_slice %arg3[%add3A, %dma_start3A_352, %dma_start3A_353] : memref<32x14x112xi32, #tpu.memory_space<hbm>> -> memref<1x14x112xi32, #tpu.memory_space<hbm>>
      %dma_start3A_355 = tpu.memref_squeeze %dma_start3A_354 : memref<1x14x112xi32, #tpu.memory_space<hbm>> -> memref<14x112xi32, #tpu.memory_space<hbm>>
      tpu.enqueue_dma source(%dma_start3A_355 : memref<14x112xi32, #tpu.memory_space<hbm>>) target(%arg5 : memref<14x112xi32, #tpu.memory_space<vmem>>) target_semaphore(%run_scoped3A : memref<!tpu.dma_semaphore, #tpu.memory_space<semaphore_mem>>)
      %dma_wait3A_356 = arith.constant 0 : i32
      %dma_wait3A_357 = arith.constant 0 : i32
      %dma_wait3A_358 = tpu.memref_slice %arg3[%add3A, %dma_wait3A_356, %dma_wait3A_357] : memref<32x14x112xi32, #tpu.memory_space<hbm>> -> memref<1x14x112xi32, #tpu.memory_space<hbm>>
      %dma_wait3A_359 = tpu.memref_squeeze %dma_wait3A_358 : memref<1x14x112xi32, #tpu.memory_space<hbm>> -> memref<14x112xi32, #tpu.memory_space<hbm>>
      %dma_wait3A_360 = arith.constant 0 : i32
      %dma_wait3A_361 = arith.constant 0 : i32
      %dma_wait3A_362 = tpu.memref_slice %arg3[%add3A, %dma_wait3A_360, %dma_wait3A_361] : memref<32x14x112xi32, #tpu.memory_space<hbm>> -> memref<1x14x112xi32, #tpu.memory_space<hbm>>
      %dma_wait3A_363 = tpu.memref_squeeze %dma_wait3A_362 : memref<1x14x112xi32, #tpu.memory_space<hbm>> -> memref<14x112xi32, #tpu.memory_space<hbm>>
      tpu.wait_dma2 semaphore(%run_scoped3A : memref<!tpu.dma_semaphore, #tpu.memory_space<semaphore_mem>>) src(%dma_wait3A_363 : memref<14x112xi32, #tpu.memory_space<hbm>>) dst(%arg5 : memref<14x112xi32, #tpu.memory_space<vmem>>)
      tpu.yield
    }) : () -> ()
    %get3A = arith.constant 0 : index
    %get3A_1 = arith.constant 0 : index
    %get3A_2 = tpu.vector_load %arg5[%get3A, %get3A_1] {strides = array<i32>} : memref<14x112xi32, #tpu.memory_space<vmem>>, vector<14x112xi32>,
    %get3A_3 = vector.shape_cast %get3A_2 : vector<14x112xi32> to vector<14x112xi32>
    %mul3A_4 = arith.constant 256 : i32
    %mul3A_5 = arith.muli %add3A, %mul3A_4 : i32
    %add3A_6 = vector.broadcast %mul3A_5 : i32 to vector<14x112xi32>
    %add3A_7 = arith.addi %get3A_3, %add3A_6 : vector<14x112xi32>
    %swap3A = arith.constant 0 : index
    %swap3A_8 = arith.constant 0 : index
    %swap3A_9 = tpu.vector_load %arg5[%swap3A, %swap3A_8] {strides = array<i32>} : memref<14x112xi32, #tpu.memory_space<vmem>>, vector<14x112xi32>,
    %swap3A_10 = vector.shape_cast %swap3A_9 : vector<14x112xi32> to vector<14x112xi32>
    %swap3A_11 = vector.shape_cast %add3A_7 : vector<14x112xi32> to vector<14x112xi32>
    tpu.vector_store %arg5[%swap3A, %swap3A_8], %swap3A_11 {strides = array<i32>} : memref<14x112xi32, #tpu.memory_space<vmem>>, vector<14x112xi32>,
    %mul3A_12 = arith.constant 1568 : i32
    %mul3A_13 = arith.muli %add3A, %mul3A_12 : i32
    %dma_start3A = arith.constant 0 : i32
    %dma_start3A_14 = arith.constant 0 : i32
    %dma_start3A_15 = tpu.memref_slice %arg5[%dma_start3A, %dma_start3A_14] : memref<14x112xi32, #tpu.memory_space<vmem>> -> memref<1x112xi32, #tpu.memory_space<vmem>>
    %dma_start3A_16 = tpu.memref_squeeze %dma_start3A_15 : memref<1x112xi32, #tpu.memory_space<vmem>> -> memref<112xi32, #tpu.memory_space<vmem>>
    %dma_start3A_17 = arith.constant 0 : i32
    %dma_start3A_18 = arith.constant 0 : i32
    %dma_start3A_19 = tpu.memref_slice %arg2[%dma_start3A_17, %dma_start3A_18] : memref<8192x128xi32, #tpu.memory_space<hbm>> -> memref<8192x128xi32, #tpu.memory_space<hbm>>
    tpu.enqueue_indirect_dma source(%dma_start3A_19 : memref<8192x128xi32, #tpu.memory_space<hbm>>) target(%arg6 : memref<112x128xi32, #tpu.memory_space<vmem>>) offsets(%dma_start3A_16 : memref<112xi32, #tpu.memory_space<vmem>>) semaphore(%arg8 : memref<!tpu.dma_semaphore, #tpu.memory_space<semaphore_mem>>)
    %dma_start3A_20 = arith.constant 1 : i32
    %dma_start3A_21 = arith.constant 0 : i32
    %dma_start3A_22 = tpu.memref_slice %arg5[%dma_start3A_20, %dma_start3A_21] : memref<14x112xi32, #tpu.memory_space<vmem>> -> memref<1x112xi32, #tpu.memory_space<vmem>>
    %dma_start3A_23 = tpu.memref_squeeze %dma_start3A_22 : memref<1x112xi32, #tpu.memory_space<vmem>> -> memref<112xi32, #tpu.memory_space<vmem>>
    %dma_start3A_24 = arith.constant 0 : i32
    %dma_start3A_25 = arith.constant 0 : i32
    %dma_start3A_26 = tpu.memref_slice %arg2[%dma_start3A_24, %dma_start3A_25] : memref<8192x128xi32, #tpu.memory_space<hbm>> -> memref<8192x128xi32, #tpu.memory_space<hbm>>
    tpu.enqueue_indirect_dma source(%dma_start3A_26 : memref<8192x128xi32, #tpu.memory_space<hbm>>) target(%arg7 : memref<112x128xi32, #tpu.memory_space<vmem>>) offsets(%dma_start3A_23 : memref<112xi32, #tpu.memory_space<vmem>>) semaphore(%arg9 : memref<!tpu.dma_semaphore, #tpu.memory_space<semaphore_mem>>)
    %dma_wait3A = arith.constant 0 : i32
    %dma_wait3A_27 = arith.constant 0 : i32
    %dma_wait3A_28 = tpu.memref_slice %arg5[%dma_wait3A, %dma_wait3A_27] : memref<14x112xi32, #tpu.memory_space<vmem>> -> memref<1x112xi32, #tpu.memory_space<vmem>>
    %dma_wait3A_29 = tpu.memref_squeeze %dma_wait3A_28 : memref<1x112xi32, #tpu.memory_space<vmem>> -> memref<112xi32, #tpu.memory_space<vmem>>
    %dma_wait3A_30 = arith.constant 0 : i32
    %dma_wait3A_31 = arith.constant 0 : i32
    %dma_wait3A_32 = tpu.memref_slice %arg2[%dma_wait3A_30, %dma_wait3A_31] : memref<8192x128xi32, #tpu.memory_space<hbm>> -> memref<8192x128xi32, #tpu.memory_space<hbm>>
    tpu.wait_indirect_dma semaphore(%arg8 : memref<!tpu.dma_semaphore, #tpu.memory_space<semaphore_mem>>) src(%dma_wait3A_32 : memref<8192x128xi32, #tpu.memory_space<hbm>>) dst(%arg6 : memref<112x128xi32, #tpu.memory_space<vmem>>)
    %add3A_33 = arith.constant 0 : i32
    %add3A_34 = arith.addi %mul3A_13, %add3A_33 : i32
    %dma_start3A_35 = arith.constant 0 : i32
    %dma_start3A_36 = tpu.memref_slice %arg4[%add3A_34, %dma_start3A_35] : memref<50176x128xi32, #tpu.memory_space<hbm>> -> memref<112x128xi32, #tpu.memory_space<hbm>>
    %dma_start3A_37 = arith.constant 0 : i32
    %dma_start3A_38 = tpu.memref_slice %arg4[%add3A_34, %dma_start3A_37] : memref<50176x128xi32, #tpu.memory_space<hbm>> -> memref<112x128xi32, #tpu.memory_space<hbm>>
    tpu.enqueue_dma source(%arg6 : memref<112x128xi32, #tpu.memory_space<vmem>>) target(%dma_start3A_38 : memref<112x128xi32, #tpu.memory_space<hbm>>) target_semaphore(%arg10 : memref<!tpu.dma_semaphore, #tpu.memory_space<semaphore_mem>>)
    %dma_wait3A_39 = arith.constant 0 : i32
    %dma_wait3A_40 = tpu.memref_slice %arg4[%add3A_34, %dma_wait3A_39] : memref<50176x128xi32, #tpu.memory_space<hbm>> -> memref<112x128xi32, #tpu.memory_space<hbm>>
    %dma_wait3A_41 = arith.constant 0 : i32
    %dma_wait3A_42 = tpu.memref_slice %arg4[%add3A_34, %dma_wait3A_41] : memref<50176x128xi32, #tpu.memory_space<hbm>> -> memref<112x128xi32, #tpu.memory_space<hbm>>
    tpu.wait_dma2 semaphore(%arg10 : memref<!tpu.dma_semaphore, #tpu.memory_space<semaphore_mem>>) src(%arg6 : memref<112x128xi32, #tpu.memory_space<vmem>>) dst(%dma_wait3A_42 : memref<112x128xi32, #tpu.memory_space<hbm>>)
    %dma_start3A_43 = arith.constant 2 : i32
    %dma_start3A_44 = arith.constant 0 : i32
    %dma_start3A_45 = tpu.memref_slice %arg5[%dma_start3A_43, %dma_start3A_44] : memref<14x112xi32, #tpu.memory_space<vmem>> -> memref<1x112xi32, #tpu.memory_space<vmem>>
    %dma_start3A_46 = tpu.memref_squeeze %dma_start3A_45 : memref<1x112xi32, #tpu.memory_space<vmem>> -> memref<112xi32, #tpu.memory_space<vmem>>
    %dma_start3A_47 = arith.constant 0 : i32
    %dma_start3A_48 = arith.constant 0 : i32
    %dma_start3A_49 = tpu.memref_slice %arg2[%dma_start3A_47, %dma_start3A_48] : memref<8192x128xi32, #tpu.memory_space<hbm>> -> memref<8192x128xi32, #tpu.memory_space<hbm>>
    tpu.enqueue_indirect_dma source(%dma_start3A_49 : memref<8192x128xi32, #tpu.memory_space<hbm>>) target(%arg6 : memref<112x128xi32, #tpu.memory_space<vmem>>) offsets(%dma_start3A_46 : memref<112xi32, #tpu.memory_space<vmem>>) semaphore(%arg8 : memref<!tpu.dma_semaphore, #tpu.memory_space<semaphore_mem>>)
    %dma_wait3A_50 = arith.constant 1 : i32
    %dma_wait3A_51 = arith.constant 0 : i32
    %dma_wait3A_52 = tpu.memref_slice %arg5[%dma_wait3A_50, %dma_wait3A_51] : memref<14x112xi32, #tpu.memory_space<vmem>> -> memref<1x112xi32, #tpu.memory_space<vmem>>
    %dma_wait3A_53 = tpu.memref_squeeze %dma_wait3A_52 : memref<1x112xi32, #tpu.memory_space<vmem>> -> memref<112xi32, #tpu.memory_space<vmem>>
    %dma_wait3A_54 = arith.constant 0 : i32
    %dma_wait3A_55 = arith.constant 0 : i32
    %dma_wait3A_56 = tpu.memref_slice %arg2[%dma_wait3A_54, %dma_wait3A_55] : memref<8192x128xi32, #tpu.memory_space<hbm>> -> memref<8192x128xi32, #tpu.memory_space<hbm>>
    tpu.wait_indirect_dma semaphore(%arg9 : memref<!tpu.dma_semaphore, #tpu.memory_space<semaphore_mem>>) src(%dma_wait3A_56 : memref<8192x128xi32, #tpu.memory_space<hbm>>) dst(%arg7 : memref<112x128xi32, #tpu.memory_space<vmem>>)
    %add3A_57 = arith.constant 112 : i32
    %add3A_58 = arith.addi %mul3A_13, %add3A_57 : i32
    %dma_start3A_59 = arith.constant 0 : i32
    %dma_start3A_60 = tpu.memref_slice %arg4[%add3A_58, %dma_start3A_59] : memref<50176x128xi32, #tpu.memory_space<hbm>> -> memref<112x128xi32, #tpu.memory_space<hbm>>
    %dma_start3A_61 = arith.constant 0 : i32
    %dma_start3A_62 = tpu.memref_slice %arg4[%add3A_58, %dma_start3A_61] : memref<50176x128xi32, #tpu.memory_space<hbm>> -> memref<112x128xi32, #tpu.memory_space<hbm>>
    tpu.enqueue_dma source(%arg7 : memref<112x128xi32, #tpu.memory_space<vmem>>) target(%dma_start3A_62 : memref<112x128xi32, #tpu.memory_space<hbm>>) target_semaphore(%arg11 : memref<!tpu.dma_semaphore, #tpu.memory_space<semaphore_mem>>)
    %dma_wait3A_63 = arith.constant 0 : i32
    %dma_wait3A_64 = tpu.memref_slice %arg4[%add3A_58, %dma_wait3A_63] : memref<50176x128xi32, #tpu.memory_space<hbm>> -> memref<112x128xi32, #tpu.memory_space<hbm>>
    %dma_wait3A_65 = arith.constant 0 : i32
    %dma_wait3A_66 = tpu.memref_slice %arg4[%add3A_58, %dma_wait3A_65] : memref<50176x128xi32, #tpu.memory_space<hbm>> -> memref<112x128xi32, #tpu.memory_space<hbm>>
    tpu.wait_dma2 semaphore(%arg11 : memref<!tpu.dma_semaphore, #tpu.memory_space<semaphore_mem>>) src(%arg7 : memref<112x128xi32, #tpu.memory_space<vmem>>) dst(%dma_wait3A_66 : memref<112x128xi32, #tpu.memory_space<hbm>>)
    %dma_start3A_67 = arith.constant 3 : i32
    %dma_start3A_68 = arith.constant 0 : i32
    %dma_start3A_69 = tpu.memref_slice %arg5[%dma_start3A_67, %dma_start3A_68] : memref<14x112xi32, #tpu.memory_space<vmem>> -> memref<1x112xi32, #tpu.memory_space<vmem>>
    %dma_start3A_70 = tpu.memref_squeeze %dma_start3A_69 : memref<1x112xi32, #tpu.memory_space<vmem>> -> memref<112xi32, #tpu.memory_space<vmem>>
    %dma_start3A_71 = arith.constant 0 : i32
    %dma_start3A_72 = arith.constant 0 : i32
    %dma_start3A_73 = tpu.memref_slice %arg2[%dma_start3A_71, %dma_start3A_72] : memref<8192x128xi32, #tpu.memory_space<hbm>> -> memref<8192x128xi32, #tpu.memory_space<hbm>>
    tpu.enqueue_indirect_dma source(%dma_start3A_73 : memref<8192x128xi32, #tpu.memory_space<hbm>>) target(%arg7 : memref<112x128xi32, #tpu.memory_space<vmem>>) offsets(%dma_start3A_70 : memref<112xi32, #tpu.memory_space<vmem>>) semaphore(%arg9 : memref<!tpu.dma_semaphore, #tpu.memory_space<semaphore_mem>>)
    %dma_wait3A_74 = arith.constant 2 : i32
    %dma_wait3A_75 = arith.constant 0 : i32
    %dma_wait3A_76 = tpu.memref_slice %arg5[%dma_wait3A_74, %dma_wait3A_75] : memref<14x112xi32, #tpu.memory_space<vmem>> -> memref<1x112xi32, #tpu.memory_space<vmem>>
    %dma_wait3A_77 = tpu.memref_squeeze %dma_wait3A_76 : memref<1x112xi32, #tpu.memory_space<vmem>> -> memref<112xi32, #tpu.memory_space<vmem>>
    %dma_wait3A_78 = arith.constant 0 : i32
    %dma_wait3A_79 = arith.constant 0 : i32
    %dma_wait3A_80 = tpu.memref_slice %arg2[%dma_wait3A_78, %dma_wait3A_79] : memref<8192x128xi32, #tpu.memory_space<hbm>> -> memref<8192x128xi32, #tpu.memory_space<hbm>>
    tpu.wait_indirect_dma semaphore(%arg8 : memref<!tpu.dma_semaphore, #tpu.memory_space<semaphore_mem>>) src(%dma_wait3A_80 : memref<8192x128xi32, #tpu.memory_space<hbm>>) dst(%arg6 : memref<112x128xi32, #tpu.memory_space<vmem>>)
    %add3A_81 = arith.constant 224 : i32
    %add3A_82 = arith.addi %mul3A_13, %add3A_81 : i32
    %dma_start3A_83 = arith.constant 0 : i32
    %dma_start3A_84 = tpu.memref_slice %arg4[%add3A_82, %dma_start3A_83] : memref<50176x128xi32, #tpu.memory_space<hbm>> -> memref<112x128xi32, #tpu.memory_space<hbm>>
    %dma_start3A_85 = arith.constant 0 : i32
    %dma_start3A_86 = tpu.memref_slice %arg4[%add3A_82, %dma_start3A_85] : memref<50176x128xi32, #tpu.memory_space<hbm>> -> memref<112x128xi32, #tpu.memory_space<hbm>>
    tpu.enqueue_dma source(%arg6 : memref<112x128xi32, #tpu.memory_space<vmem>>) target(%dma_start3A_86 : memref<112x128xi32, #tpu.memory_space<hbm>>) target_semaphore(%arg10 : memref<!tpu.dma_semaphore, #tpu.memory_space<semaphore_mem>>)
    %dma_wait3A_87 = arith.constant 0 : i32
    %dma_wait3A_88 = tpu.memref_slice %arg4[%add3A_82, %dma_wait3A_87] : memref<50176x128xi32, #tpu.memory_space<hbm>> -> memref<112x128xi32, #tpu.memory_space<hbm>>
    %dma_wait3A_89 = arith.constant 0 : i32
    %dma_wait3A_90 = tpu.memref_slice %arg4[%add3A_82, %dma_wait3A_89] : memref<50176x128xi32, #tpu.memory_space<hbm>> -> memref<112x128xi32, #tpu.memory_space<hbm>>
    tpu.wait_dma2 semaphore(%arg10 : memref<!tpu.dma_semaphore, #tpu.memory_space<semaphore_mem>>) src(%arg6 : memref<112x128xi32, #tpu.memory_space<vmem>>) dst(%dma_wait3A_90 : memref<112x128xi32, #tpu.memory_space<hbm>>)
    %dma_start3A_91 = arith.constant 4 : i32
    %dma_start3A_92 = arith.constant 0 : i32
    %dma_start3A_93 = tpu.memref_slice %arg5[%dma_start3A_91, %dma_start3A_92] : memref<14x112xi32, #tpu.memory_space<vmem>> -> memref<1x112xi32, #tpu.memory_space<vmem>>
    %dma_start3A_94 = tpu.memref_squeeze %dma_start3A_93 : memref<1x112xi32, #tpu.memory_space<vmem>> -> memref<112xi32, #tpu.memory_space<vmem>>
    %dma_start3A_95 = arith.constant 0 : i32
    %dma_start3A_96 = arith.constant 0 : i32
    %dma_start3A_97 = tpu.memref_slice %arg2[%dma_start3A_95, %dma_start3A_96] : memref<8192x128xi32, #tpu.memory_space<hbm>> -> memref<8192x128xi32, #tpu.memory_space<hbm>>
    tpu.enqueue_indirect_dma source(%dma_start3A_97 : memref<8192x128xi32, #tpu.memory_space<hbm>>) target(%arg6 : memref<112x128xi32, #tpu.memory_space<vmem>>) offsets(%dma_start3A_94 : memref<112xi32, #tpu.memory_space<vmem>>) semaphore(%arg8 : memref<!tpu.dma_semaphore, #tpu.memory_space<semaphore_mem>>)
    %dma_wait3A_98 = arith.constant 3 : i32
    %dma_wait3A_99 = arith.constant 0 : i32
    %dma_wait3A_100 = tpu.memref_slice %arg5[%dma_wait3A_98, %dma_wait3A_99] : memref<14x112xi32, #tpu.memory_space<vmem>> -> memref<1x112xi32, #tpu.memory_space<vmem>>
    %dma_wait3A_101 = tpu.memref_squeeze %dma_wait3A_100 : memref<1x112xi32, #tpu.memory_space<vmem>> -> memref<112xi32, #tpu.memory_space<vmem>>
    %dma_wait3A_102 = arith.constant 0 : i32
    %dma_wait3A_103 = arith.constant 0 : i32
    %dma_wait3A_104 = tpu.memref_slice %arg2[%dma_wait3A_102, %dma_wait3A_103] : memref<8192x128xi32, #tpu.memory_space<hbm>> -> memref<8192x128xi32, #tpu.memory_space<hbm>>
    tpu.wait_indirect_dma semaphore(%arg9 : memref<!tpu.dma_semaphore, #tpu.memory_space<semaphore_mem>>) src(%dma_wait3A_104 : memref<8192x128xi32, #tpu.memory_space<hbm>>) dst(%arg7 : memref<112x128xi32, #tpu.memory_space<vmem>>)
    %add3A_105 = arith.constant 336 : i32
    %add3A_106 = arith.addi %mul3A_13, %add3A_105 : i32
    %dma_start3A_107 = arith.constant 0 : i32
    %dma_start3A_108 = tpu.memref_slice %arg4[%add3A_106, %dma_start3A_107] : memref<50176x128xi32, #tpu.memory_space<hbm>> -> memref<112x128xi32, #tpu.memory_space<hbm>>
    %dma_start3A_109 = arith.constant 0 : i32
    %dma_start3A_110 = tpu.memref_slice %arg4[%add3A_106, %dma_start3A_109] : memref<50176x128xi32, #tpu.memory_space<hbm>> -> memref<112x128xi32, #tpu.memory_space<hbm>>
    tpu.enqueue_dma source(%arg7 : memref<112x128xi32, #tpu.memory_space<vmem>>) target(%dma_start3A_110 : memref<112x128xi32, #tpu.memory_space<hbm>>) target_semaphore(%arg11 : memref<!tpu.dma_semaphore, #tpu.memory_space<semaphore_mem>>)
    %dma_wait3A_111 = arith.constant 0 : i32
    %dma_wait3A_112 = tpu.memref_slice %arg4[%add3A_106, %dma_wait3A_111] : memref<50176x128xi32, #tpu.memory_space<hbm>> -> memref<112x128xi32, #tpu.memory_space<hbm>>
    %dma_wait3A_113 = arith.constant 0 : i32
    %dma_wait3A_114 = tpu.memref_slice %arg4[%add3A_106, %dma_wait3A_113] : memref<50176x128xi32, #tpu.memory_space<hbm>> -> memref<112x128xi32, #tpu.memory_space<hbm>>
    tpu.wait_dma2 semaphore(%arg11 : memref<!tpu.dma_semaphore, #tpu.memory_space<semaphore_mem>>) src(%arg7 : memref<112x128xi32, #tpu.memory_space<vmem>>) dst(%dma_wait3A_114 : memref<112x128xi32, #tpu.memory_space<hbm>>)
    %dma_start3A_115 = arith.constant 5 : i32
    %dma_start3A_116 = arith.constant 0 : i32
    %dma_start3A_117 = tpu.memref_slice %arg5[%dma_start3A_115, %dma_start3A_116] : memref<14x112xi32, #tpu.memory_space<vmem>> -> memref<1x112xi32, #tpu.memory_space<vmem>>
    %dma_start3A_118 = tpu.memref_squeeze %dma_start3A_117 : memref<1x112xi32, #tpu.memory_space<vmem>> -> memref<112xi32, #tpu.memory_space<vmem>>
    %dma_start3A_119 = arith.constant 0 : i32
    %dma_start3A_120 = arith.constant 0 : i32
    %dma_start3A_121 = tpu.memref_slice %arg2[%dma_start3A_119, %dma_start3A_120] : memref<8192x128xi32, #tpu.memory_space<hbm>> -> memref<8192x128xi32, #tpu.memory_space<hbm>>
    tpu.enqueue_indirect_dma source(%dma_start3A_121 : memref<8192x128xi32, #tpu.memory_space<hbm>>) target(%arg7 : memref<112x128xi32, #tpu.memory_space<vmem>>) offsets(%dma_start3A_118 : memref<112xi32, #tpu.memory_space<vmem>>) semaphore(%arg9 : memref<!tpu.dma_semaphore, #tpu.memory_space<semaphore_mem>>)
    %dma_wait3A_122 = arith.constant 4 : i32
    %dma_wait3A_123 = arith.constant 0 : i32
    %dma_wait3A_124 = tpu.memref_slice %arg5[%dma_wait3A_122, %dma_wait3A_123] : memref<14x112xi32, #tpu.memory_space<vmem>> -> memref<1x112xi32, #tpu.memory_space<vmem>>
    %dma_wait3A_125 = tpu.memref_squeeze %dma_wait3A_124 : memref<1x112xi32, #tpu.memory_space<vmem>> -> memref<112xi32, #tpu.memory_space<vmem>>
    %dma_wait3A_126 = arith.constant 0 : i32
    %dma_wait3A_127 = arith.constant 0 : i32
    %dma_wait3A_128 = tpu.memref_slice %arg2[%dma_wait3A_126, %dma_wait3A_127] : memref<8192x128xi32, #tpu.memory_space<hbm>> -> memref<8192x128xi32, #tpu.memory_space<hbm>>
    tpu.wait_indirect_dma semaphore(%arg8 : memref<!tpu.dma_semaphore, #tpu.memory_space<semaphore_mem>>) src(%dma_wait3A_128 : memref<8192x128xi32, #tpu.memory_space<hbm>>) dst(%arg6 : memref<112x128xi32, #tpu.memory_space<vmem>>)
    %add3A_129 = arith.constant 448 : i32
    %add3A_130 = arith.addi %mul3A_13, %add3A_129 : i32
    %dma_start3A_131 = arith.constant 0 : i32
    %dma_start3A_132 = tpu.memref_slice %arg4[%add3A_130, %dma_start3A_131] : memref<50176x128xi32, #tpu.memory_space<hbm>> -> memref<112x128xi32, #tpu.memory_space<hbm>>
    %dma_start3A_133 = arith.constant 0 : i32
    %dma_start3A_134 = tpu.memref_slice %arg4[%add3A_130, %dma_start3A_133] : memref<50176x128xi32, #tpu.memory_space<hbm>> -> memref<112x128xi32, #tpu.memory_space<hbm>>
    tpu.enqueue_dma source(%arg6 : memref<112x128xi32, #tpu.memory_space<vmem>>) target(%dma_start3A_134 : memref<112x128xi32, #tpu.memory_space<hbm>>) target_semaphore(%arg10 : memref<!tpu.dma_semaphore, #tpu.memory_space<semaphore_mem>>)
    %dma_wait3A_135 = arith.constant 0 : i32
    %dma_wait3A_136 = tpu.memref_slice %arg4[%add3A_130, %dma_wait3A_135] : memref<50176x128xi32, #tpu.memory_space<hbm>> -> memref<112x128xi32, #tpu.memory_space<hbm>>
    %dma_wait3A_137 = arith.constant 0 : i32
    %dma_wait3A_138 = tpu.memref_slice %arg4[%add3A_130, %dma_wait3A_137] : memref<50176x128xi32, #tpu.memory_space<hbm>> -> memref<112x128xi32, #tpu.memory_space<hbm>>
    tpu.wait_dma2 semaphore(%arg10 : memref<!tpu.dma_semaphore, #tpu.memory_space<semaphore_mem>>) src(%arg6 : memref<112x128xi32, #tpu.memory_space<vmem>>) dst(%dma_wait3A_138 : memref<112x128xi32, #tpu.memory_space<hbm>>)
    %dma_start3A_139 = arith.constant 6 : i32
    %dma_start3A_140 = arith.constant 0 : i32
    %dma_start3A_141 = tpu.memref_slice %arg5[%dma_start3A_139, %dma_start3A_140] : memref<14x112xi32, #tpu.memory_space<vmem>> -> memref<1x112xi32, #tpu.memory_space<vmem>>
    %dma_start3A_142 = tpu.memref_squeeze %dma_start3A_141 : memref<1x112xi32, #tpu.memory_space<vmem>> -> memref<112xi32, #tpu.memory_space<vmem>>
    %dma_start3A_143 = arith.constant 0 : i32
    %dma_start3A_144 = arith.constant 0 : i32
    %dma_start3A_145 = tpu.memref_slice %arg2[%dma_start3A_143, %dma_start3A_144] : memref<8192x128xi32, #tpu.memory_space<hbm>> -> memref<8192x128xi32, #tpu.memory_space<hbm>>
    tpu.enqueue_indirect_dma source(%dma_start3A_145 : memref<8192x128xi32, #tpu.memory_space<hbm>>) target(%arg6 : memref<112x128xi32, #tpu.memory_space<vmem>>) offsets(%dma_start3A_142 : memref<112xi32, #tpu.memory_space<vmem>>) semaphore(%arg8 : memref<!tpu.dma_semaphore, #tpu.memory_space<semaphore_mem>>)
    %dma_wait3A_146 = arith.constant 5 : i32
    %dma_wait3A_147 = arith.constant 0 : i32
    %dma_wait3A_148 = tpu.memref_slice %arg5[%dma_wait3A_146, %dma_wait3A_147] : memref<14x112xi32, #tpu.memory_space<vmem>> -> memref<1x112xi32, #tpu.memory_space<vmem>>
    %dma_wait3A_149 = tpu.memref_squeeze %dma_wait3A_148 : memref<1x112xi32, #tpu.memory_space<vmem>> -> memref<112xi32, #tpu.memory_space<vmem>>
    %dma_wait3A_150 = arith.constant 0 : i32
    %dma_wait3A_151 = arith.constant 0 : i32
    %dma_wait3A_152 = tpu.memref_slice %arg2[%dma_wait3A_150, %dma_wait3A_151] : memref<8192x128xi32, #tpu.memory_space<hbm>> -> memref<8192x128xi32, #tpu.memory_space<hbm>>
    tpu.wait_indirect_dma semaphore(%arg9 : memref<!tpu.dma_semaphore, #tpu.memory_space<semaphore_mem>>) src(%dma_wait3A_152 : memref<8192x128xi32, #tpu.memory_space<hbm>>) dst(%arg7 : memref<112x128xi32, #tpu.memory_space<vmem>>)
    %add3A_153 = arith.constant 560 : i32
    %add3A_154 = arith.addi %mul3A_13, %add3A_153 : i32
    %dma_start3A_155 = arith.constant 0 : i32
    %dma_start3A_156 = tpu.memref_slice %arg4[%add3A_154, %dma_start3A_155] : memref<50176x128xi32, #tpu.memory_space<hbm>> -> memref<112x128xi32, #tpu.memory_space<hbm>>
    %dma_start3A_157 = arith.constant 0 : i32
    %dma_start3A_158 = tpu.memref_slice %arg4[%add3A_154, %dma_start3A_157] : memref<50176x128xi32, #tpu.memory_space<hbm>> -> memref<112x128xi32, #tpu.memory_space<hbm>>
    tpu.enqueue_dma source(%arg7 : memref<112x128xi32, #tpu.memory_space<vmem>>) target(%dma_start3A_158 : memref<112x128xi32, #tpu.memory_space<hbm>>) target_semaphore(%arg11 : memref<!tpu.dma_semaphore, #tpu.memory_space<semaphore_mem>>)
    %dma_wait3A_159 = arith.constant 0 : i32
    %dma_wait3A_160 = tpu.memref_slice %arg4[%add3A_154, %dma_wait3A_159] : memref<50176x128xi32, #tpu.memory_space<hbm>> -> memref<112x128xi32, #tpu.memory_space<hbm>>
    %dma_wait3A_161 = arith.constant 0 : i32
    %dma_wait3A_162 = tpu.memref_slice %arg4[%add3A_154, %dma_wait3A_161] : memref<50176x128xi32, #tpu.memory_space<hbm>> -> memref<112x128xi32, #tpu.memory_space<hbm>>
    tpu.wait_dma2 semaphore(%arg11 : memref<!tpu.dma_semaphore, #tpu.memory_space<semaphore_mem>>) src(%arg7 : memref<112x128xi32, #tpu.memory_space<vmem>>) dst(%dma_wait3A_162 : memref<112x128xi32, #tpu.memory_space<hbm>>)
    %dma_start3A_163 = arith.constant 7 : i32
    %dma_start3A_164 = arith.constant 0 : i32
    %dma_start3A_165 = tpu.memref_slice %arg5[%dma_start3A_163, %dma_start3A_164] : memref<14x112xi32, #tpu.memory_space<vmem>> -> memref<1x112xi32, #tpu.memory_space<vmem>>
    %dma_start3A_166 = tpu.memref_squeeze %dma_start3A_165 : memref<1x112xi32, #tpu.memory_space<vmem>> -> memref<112xi32, #tpu.memory_space<vmem>>
    %dma_start3A_167 = arith.constant 0 : i32
    %dma_start3A_168 = arith.constant 0 : i32
    %dma_start3A_169 = tpu.memref_slice %arg2[%dma_start3A_167, %dma_start3A_168] : memref<8192x128xi32, #tpu.memory_space<hbm>> -> memref<8192x128xi32, #tpu.memory_space<hbm>>
    tpu.enqueue_indirect_dma source(%dma_start3A_169 : memref<8192x128xi32, #tpu.memory_space<hbm>>) target(%arg7 : memref<112x128xi32, #tpu.memory_space<vmem>>) offsets(%dma_start3A_166 : memref<112xi32, #tpu.memory_space<vmem>>) semaphore(%arg9 : memref<!tpu.dma_semaphore, #tpu.memory_space<semaphore_mem>>)
    %dma_wait3A_170 = arith.constant 6 : i32
    %dma_wait3A_171 = arith.constant 0 : i32
    %dma_wait3A_172 = tpu.memref_slice %arg5[%dma_wait3A_170, %dma_wait3A_171] : memref<14x112xi32, #tpu.memory_space<vmem>> -> memref<1x112xi32, #tpu.memory_space<vmem>>
    %dma_wait3A_173 = tpu.memref_squeeze %dma_wait3A_172 : memref<1x112xi32, #tpu.memory_space<vmem>> -> memref<112xi32, #tpu.memory_space<vmem>>
    %dma_wait3A_174 = arith.constant 0 : i32
    %dma_wait3A_175 = arith.constant 0 : i32
    %dma_wait3A_176 = tpu.memref_slice %arg2[%dma_wait3A_174, %dma_wait3A_175] : memref<8192x128xi32, #tpu.memory_space<hbm>> -> memref<8192x128xi32, #tpu.memory_space<hbm>>
    tpu.wait_indirect_dma semaphore(%arg8 : memref<!tpu.dma_semaphore, #tpu.memory_space<semaphore_mem>>) src(%dma_wait3A_176 : memref<8192x128xi32, #tpu.memory_space<hbm>>) dst(%arg6 : memref<112x128xi32, #tpu.memory_space<vmem>>)
    %add3A_177 = arith.constant 672 : i32
    %add3A_178 = arith.addi %mul3A_13, %add3A_177 : i32
    %dma_start3A_179 = arith.constant 0 : i32
    %dma_start3A_180 = tpu.memref_slice %arg4[%add3A_178, %dma_start3A_179] : memref<50176x128xi32, #tpu.memory_space<hbm>> -> memref<112x128xi32, #tpu.memory_space<hbm>>
    %dma_start3A_181 = arith.constant 0 : i32
    %dma_start3A_182 = tpu.memref_slice %arg4[%add3A_178, %dma_start3A_181] : memref<50176x128xi32, #tpu.memory_space<hbm>> -> memref<112x128xi32, #tpu.memory_space<hbm>>
    tpu.enqueue_dma source(%arg6 : memref<112x128xi32, #tpu.memory_space<vmem>>) target(%dma_start3A_182 : memref<112x128xi32, #tpu.memory_space<hbm>>) target_semaphore(%arg10 : memref<!tpu.dma_semaphore, #tpu.memory_space<semaphore_mem>>)
    %dma_wait3A_183 = arith.constant 0 : i32
    %dma_wait3A_184 = tpu.memref_slice %arg4[%add3A_178, %dma_wait3A_183] : memref<50176x128xi32, #tpu.memory_space<hbm>> -> memref<112x128xi32, #tpu.memory_space<hbm>>
    %dma_wait3A_185 = arith.constant 0 : i32
    %dma_wait3A_186 = tpu.memref_slice %arg4[%add3A_178, %dma_wait3A_185] : memref<50176x128xi32, #tpu.memory_space<hbm>> -> memref<112x128xi32, #tpu.memory_space<hbm>>
    tpu.wait_dma2 semaphore(%arg10 : memref<!tpu.dma_semaphore, #tpu.memory_space<semaphore_mem>>) src(%arg6 : memref<112x128xi32, #tpu.memory_space<vmem>>) dst(%dma_wait3A_186 : memref<112x128xi32, #tpu.memory_space<hbm>>)
    %dma_start3A_187 = arith.constant 8 : i32
    %dma_start3A_188 = arith.constant 0 : i32
    %dma_start3A_189 = tpu.memref_slice %arg5[%dma_start3A_187, %dma_start3A_188] : memref<14x112xi32, #tpu.memory_space<vmem>> -> memref<1x112xi32, #tpu.memory_space<vmem>>
    %dma_start3A_190 = tpu.memref_squeeze %dma_start3A_189 : memref<1x112xi32, #tpu.memory_space<vmem>> -> memref<112xi32, #tpu.memory_space<vmem>>
    %dma_start3A_191 = arith.constant 0 : i32
    %dma_start3A_192 = arith.constant 0 : i32
    %dma_start3A_193 = tpu.memref_slice %arg2[%dma_start3A_191, %dma_start3A_192] : memref<8192x128xi32, #tpu.memory_space<hbm>> -> memref<8192x128xi32, #tpu.memory_space<hbm>>
    tpu.enqueue_indirect_dma source(%dma_start3A_193 : memref<8192x128xi32, #tpu.memory_space<hbm>>) target(%arg6 : memref<112x128xi32, #tpu.memory_space<vmem>>) offsets(%dma_start3A_190 : memref<112xi32, #tpu.memory_space<vmem>>) semaphore(%arg8 : memref<!tpu.dma_semaphore, #tpu.memory_space<semaphore_mem>>)
    %dma_wait3A_194 = arith.constant 7 : i32
    %dma_wait3A_195 = arith.constant 0 : i32
    %dma_wait3A_196 = tpu.memref_slice %arg5[%dma_wait3A_194, %dma_wait3A_195] : memref<14x112xi32, #tpu.memory_space<vmem>> -> memref<1x112xi32, #tpu.memory_space<vmem>>
    %dma_wait3A_197 = tpu.memref_squeeze %dma_wait3A_196 : memref<1x112xi32, #tpu.memory_space<vmem>> -> memref<112xi32, #tpu.memory_space<vmem>>
    %dma_wait3A_198 = arith.constant 0 : i32
    %dma_wait3A_199 = arith.constant 0 : i32
    %dma_wait3A_200 = tpu.memref_slice %arg2[%dma_wait3A_198, %dma_wait3A_199] : memref<8192x128xi32, #tpu.memory_space<hbm>> -> memref<8192x128xi32, #tpu.memory_space<hbm>>
    tpu.wait_indirect_dma semaphore(%arg9 : memref<!tpu.dma_semaphore, #tpu.memory_space<semaphore_mem>>) src(%dma_wait3A_200 : memref<8192x128xi32, #tpu.memory_space<hbm>>) dst(%arg7 : memref<112x128xi32, #tpu.memory_space<vmem>>)
    %add3A_201 = arith.constant 784 : i32
    %add3A_202 = arith.addi %mul3A_13, %add3A_201 : i32
    %dma_start3A_203 = arith.constant 0 : i32
    %dma_start3A_204 = tpu.memref_slice %arg4[%add3A_202, %dma_start3A_203] : memref<50176x128xi32, #tpu.memory_space<hbm>> -> memref<112x128xi32, #tpu.memory_space<hbm>>
    %dma_start3A_205 = arith.constant 0 : i32
    %dma_start3A_206 = tpu.memref_slice %arg4[%add3A_202, %dma_start3A_205] : memref<50176x128xi32, #tpu.memory_space<hbm>> -> memref<112x128xi32, #tpu.memory_space<hbm>>
    tpu.enqueue_dma source(%arg7 : memref<112x128xi32, #tpu.memory_space<vmem>>) target(%dma_start3A_206 : memref<112x128xi32, #tpu.memory_space<hbm>>) target_semaphore(%arg11 : memref<!tpu.dma_semaphore, #tpu.memory_space<semaphore_mem>>)
    %dma_wait3A_207 = arith.constant 0 : i32
    %dma_wait3A_208 = tpu.memref_slice %arg4[%add3A_202, %dma_wait3A_207] : memref<50176x128xi32, #tpu.memory_space<hbm>> -> memref<112x128xi32, #tpu.memory_space<hbm>>
    %dma_wait3A_209 = arith.constant 0 : i32
    %dma_wait3A_210 = tpu.memref_slice %arg4[%add3A_202, %dma_wait3A_209] : memref<50176x128xi32, #tpu.memory_space<hbm>> -> memref<112x128xi32, #tpu.memory_space<hbm>>
    tpu.wait_dma2 semaphore(%arg11 : memref<!tpu.dma_semaphore, #tpu.memory_space<semaphore_mem>>) src(%arg7 : memref<112x128xi32, #tpu.memory_space<vmem>>) dst(%dma_wait3A_210 : memref<112x128xi32, #tpu.memory_space<hbm>>)
    %dma_start3A_211 = arith.constant 9 : i32
    %dma_start3A_212 = arith.constant 0 : i32
    %dma_start3A_213 = tpu.memref_slice %arg5[%dma_start3A_211, %dma_start3A_212] : memref<14x112xi32, #tpu.memory_space<vmem>> -> memref<1x112xi32, #tpu.memory_space<vmem>>
    %dma_start3A_214 = tpu.memref_squeeze %dma_start3A_213 : memref<1x112xi32, #tpu.memory_space<vmem>> -> memref<112xi32, #tpu.memory_space<vmem>>
    %dma_start3A_215 = arith.constant 0 : i32
    %dma_start3A_216 = arith.constant 0 : i32
    %dma_start3A_217 = tpu.memref_slice %arg2[%dma_start3A_215, %dma_start3A_216] : memref<8192x128xi32, #tpu.memory_space<hbm>> -> memref<8192x128xi32, #tpu.memory_space<hbm>>
    tpu.enqueue_indirect_dma source(%dma_start3A_217 : memref<8192x128xi32, #tpu.memory_space<hbm>>) target(%arg7 : memref<112x128xi32, #tpu.memory_space<vmem>>) offsets(%dma_start3A_214 : memref<112xi32, #tpu.memory_space<vmem>>) semaphore(%arg9 : memref<!tpu.dma_semaphore, #tpu.memory_space<semaphore_mem>>)
    %dma_wait3A_218 = arith.constant 8 : i32
    %dma_wait3A_219 = arith.constant 0 : i32
    %dma_wait3A_220 = tpu.memref_slice %arg5[%dma_wait3A_218, %dma_wait3A_219] : memref<14x112xi32, #tpu.memory_space<vmem>> -> memref<1x112xi32, #tpu.memory_space<vmem>>
    %dma_wait3A_221 = tpu.memref_squeeze %dma_wait3A_220 : memref<1x112xi32, #tpu.memory_space<vmem>> -> memref<112xi32, #tpu.memory_space<vmem>>
    %dma_wait3A_222 = arith.constant 0 : i32
    %dma_wait3A_223 = arith.constant 0 : i32
    %dma_wait3A_224 = tpu.memref_slice %arg2[%dma_wait3A_222, %dma_wait3A_223] : memref<8192x128xi32, #tpu.memory_space<hbm>> -> memref<8192x128xi32, #tpu.memory_space<hbm>>
    tpu.wait_indirect_dma semaphore(%arg8 : memref<!tpu.dma_semaphore, #tpu.memory_space<semaphore_mem>>) src(%dma_wait3A_224 : memref<8192x128xi32, #tpu.memory_space<hbm>>) dst(%arg6 : memref<112x128xi32, #tpu.memory_space<vmem>>)
    %add3A_225 = arith.constant 896 : i32
    %add3A_226 = arith.addi %mul3A_13, %add3A_225 : i32
    %dma_start3A_227 = arith.constant 0 : i32
    %dma_start3A_228 = tpu.memref_slice %arg4[%add3A_226, %dma_start3A_227] : memref<50176x128xi32, #tpu.memory_space<hbm>> -> memref<112x128xi32, #tpu.memory_space<hbm>>
    %dma_start3A_229 = arith.constant 0 : i32
    %dma_start3A_230 = tpu.memref_slice %arg4[%add3A_226, %dma_start3A_229] : memref<50176x128xi32, #tpu.memory_space<hbm>> -> memref<112x128xi32, #tpu.memory_space<hbm>>
    tpu.enqueue_dma source(%arg6 : memref<112x128xi32, #tpu.memory_space<vmem>>) target(%dma_start3A_230 : memref<112x128xi32, #tpu.memory_space<hbm>>) target_semaphore(%arg10 : memref<!tpu.dma_semaphore, #tpu.memory_space<semaphore_mem>>)
    %dma_wait3A_231 = arith.constant 0 : i32
    %dma_wait3A_232 = tpu.memref_slice %arg4[%add3A_226, %dma_wait3A_231] : memref<50176x128xi32, #tpu.memory_space<hbm>> -> memref<112x128xi32, #tpu.memory_space<hbm>>
    %dma_wait3A_233 = arith.constant 0 : i32
    %dma_wait3A_234 = tpu.memref_slice %arg4[%add3A_226, %dma_wait3A_233] : memref<50176x128xi32, #tpu.memory_space<hbm>> -> memref<112x128xi32, #tpu.memory_space<hbm>>
    tpu.wait_dma2 semaphore(%arg10 : memref<!tpu.dma_semaphore, #tpu.memory_space<semaphore_mem>>) src(%arg6 : memref<112x128xi32, #tpu.memory_space<vmem>>) dst(%dma_wait3A_234 : memref<112x128xi32, #tpu.memory_space<hbm>>)
    %dma_start3A_235 = arith.constant 10 : i32
    %dma_start3A_236 = arith.constant 0 : i32
    %dma_start3A_237 = tpu.memref_slice %arg5[%dma_start3A_235, %dma_start3A_236] : memref<14x112xi32, #tpu.memory_space<vmem>> -> memref<1x112xi32, #tpu.memory_space<vmem>>
    %dma_start3A_238 = tpu.memref_squeeze %dma_start3A_237 : memref<1x112xi32, #tpu.memory_space<vmem>> -> memref<112xi32, #tpu.memory_space<vmem>>
    %dma_start3A_239 = arith.constant 0 : i32
    %dma_start3A_240 = arith.constant 0 : i32
    %dma_start3A_241 = tpu.memref_slice %arg2[%dma_start3A_239, %dma_start3A_240] : memref<8192x128xi32, #tpu.memory_space<hbm>> -> memref<8192x128xi32, #tpu.memory_space<hbm>>
    tpu.enqueue_indirect_dma source(%dma_start3A_241 : memref<8192x128xi32, #tpu.memory_space<hbm>>) target(%arg6 : memref<112x128xi32, #tpu.memory_space<vmem>>) offsets(%dma_start3A_238 : memref<112xi32, #tpu.memory_space<vmem>>) semaphore(%arg8 : memref<!tpu.dma_semaphore, #tpu.memory_space<semaphore_mem>>)
    %dma_wait3A_242 = arith.constant 9 : i32
    %dma_wait3A_243 = arith.constant 0 : i32
    %dma_wait3A_244 = tpu.memref_slice %arg5[%dma_wait3A_242, %dma_wait3A_243] : memref<14x112xi32, #tpu.memory_space<vmem>> -> memref<1x112xi32, #tpu.memory_space<vmem>>
    %dma_wait3A_245 = tpu.memref_squeeze %dma_wait3A_244 : memref<1x112xi32, #tpu.memory_space<vmem>> -> memref<112xi32, #tpu.memory_space<vmem>>
    %dma_wait3A_246 = arith.constant 0 : i32
    %dma_wait3A_247 = arith.constant 0 : i32
    %dma_wait3A_248 = tpu.memref_slice %arg2[%dma_wait3A_246, %dma_wait3A_247] : memref<8192x128xi32, #tpu.memory_space<hbm>> -> memref<8192x128xi32, #tpu.memory_space<hbm>>
    tpu.wait_indirect_dma semaphore(%arg9 : memref<!tpu.dma_semaphore, #tpu.memory_space<semaphore_mem>>) src(%dma_wait3A_248 : memref<8192x128xi32, #tpu.memory_space<hbm>>) dst(%arg7 : memref<112x128xi32, #tpu.memory_space<vmem>>)
    %add3A_249 = arith.constant 1008 : i32
    %add3A_250 = arith.addi %mul3A_13, %add3A_249 : i32
    %dma_start3A_251 = arith.constant 0 : i32
    %dma_start3A_252 = tpu.memref_slice %arg4[%add3A_250, %dma_start3A_251] : memref<50176x128xi32, #tpu.memory_space<hbm>> -> memref<112x128xi32, #tpu.memory_space<hbm>>
    %dma_start3A_253 = arith.constant 0 : i32
    %dma_start3A_254 = tpu.memref_slice %arg4[%add3A_250, %dma_start3A_253] : memref<50176x128xi32, #tpu.memory_space<hbm>> -> memref<112x128xi32, #tpu.memory_space<hbm>>
    tpu.enqueue_dma source(%arg7 : memref<112x128xi32, #tpu.memory_space<vmem>>) target(%dma_start3A_254 : memref<112x128xi32, #tpu.memory_space<hbm>>) target_semaphore(%arg11 : memref<!tpu.dma_semaphore, #tpu.memory_space<semaphore_mem>>)
    %dma_wait3A_255 = arith.constant 0 : i32
    %dma_wait3A_256 = tpu.memref_slice %arg4[%add3A_250, %dma_wait3A_255] : memref<50176x128xi32, #tpu.memory_space<hbm>> -> memref<112x128xi32, #tpu.memory_space<hbm>>
    %dma_wait3A_257 = arith.constant 0 : i32
    %dma_wait3A_258 = tpu.memref_slice %arg4[%add3A_250, %dma_wait3A_257] : memref<50176x128xi32, #tpu.memory_space<hbm>> -> memref<112x128xi32, #tpu.memory_space<hbm>>
    tpu.wait_dma2 semaphore(%arg11 : memref<!tpu.dma_semaphore, #tpu.memory_space<semaphore_mem>>) src(%arg7 : memref<112x128xi32, #tpu.memory_space<vmem>>) dst(%dma_wait3A_258 : memref<112x128xi32, #tpu.memory_space<hbm>>)
    %dma_start3A_259 = arith.constant 11 : i32
    %dma_start3A_260 = arith.constant 0 : i32
    %dma_start3A_261 = tpu.memref_slice %arg5[%dma_start3A_259, %dma_start3A_260] : memref<14x112xi32, #tpu.memory_space<vmem>> -> memref<1x112xi32, #tpu.memory_space<vmem>>
    %dma_start3A_262 = tpu.memref_squeeze %dma_start3A_261 : memref<1x112xi32, #tpu.memory_space<vmem>> -> memref<112xi32, #tpu.memory_space<vmem>>
    %dma_start3A_263 = arith.constant 0 : i32
    %dma_start3A_264 = arith.constant 0 : i32
    %dma_start3A_265 = tpu.memref_slice %arg2[%dma_start3A_263, %dma_start3A_264] : memref<8192x128xi32, #tpu.memory_space<hbm>> -> memref<8192x128xi32, #tpu.memory_space<hbm>>
    tpu.enqueue_indirect_dma source(%dma_start3A_265 : memref<8192x128xi32, #tpu.memory_space<hbm>>) target(%arg7 : memref<112x128xi32, #tpu.memory_space<vmem>>) offsets(%dma_start3A_262 : memref<112xi32, #tpu.memory_space<vmem>>) semaphore(%arg9 : memref<!tpu.dma_semaphore, #tpu.memory_space<semaphore_mem>>)
    %dma_wait3A_266 = arith.constant 10 : i32
    %dma_wait3A_267 = arith.constant 0 : i32
    %dma_wait3A_268 = tpu.memref_slice %arg5[%dma_wait3A_266, %dma_wait3A_267] : memref<14x112xi32, #tpu.memory_space<vmem>> -> memref<1x112xi32, #tpu.memory_space<vmem>>
    %dma_wait3A_269 = tpu.memref_squeeze %dma_wait3A_268 : memref<1x112xi32, #tpu.memory_space<vmem>> -> memref<112xi32, #tpu.memory_space<vmem>>
    %dma_wait3A_270 = arith.constant 0 : i32
    %dma_wait3A_271 = arith.constant 0 : i32
    %dma_wait3A_272 = tpu.memref_slice %arg2[%dma_wait3A_270, %dma_wait3A_271] : memref<8192x128xi32, #tpu.memory_space<hbm>> -> memref<8192x128xi32, #tpu.memory_space<hbm>>
    tpu.wait_indirect_dma semaphore(%arg8 : memref<!tpu.dma_semaphore, #tpu.memory_space<semaphore_mem>>) src(%dma_wait3A_272 : memref<8192x128xi32, #tpu.memory_space<hbm>>) dst(%arg6 : memref<112x128xi32, #tpu.memory_space<vmem>>)
    %add3A_273 = arith.constant 1120 : i32
    %add3A_274 = arith.addi %mul3A_13, %add3A_273 : i32
    %dma_start3A_275 = arith.constant 0 : i32
    %dma_start3A_276 = tpu.memref_slice %arg4[%add3A_274, %dma_start3A_275] : memref<50176x128xi32, #tpu.memory_space<hbm>> -> memref<112x128xi32, #tpu.memory_space<hbm>>
    %dma_start3A_277 = arith.constant 0 : i32
    %dma_start3A_278 = tpu.memref_slice %arg4[%add3A_274, %dma_start3A_277] : memref<50176x128xi32, #tpu.memory_space<hbm>> -> memref<112x128xi32, #tpu.memory_space<hbm>>
    tpu.enqueue_dma source(%arg6 : memref<112x128xi32, #tpu.memory_space<vmem>>) target(%dma_start3A_278 : memref<112x128xi32, #tpu.memory_space<hbm>>) target_semaphore(%arg10 : memref<!tpu.dma_semaphore, #tpu.memory_space<semaphore_mem>>)
    %dma_wait3A_279 = arith.constant 0 : i32
    %dma_wait3A_280 = tpu.memref_slice %arg4[%add3A_274, %dma_wait3A_279] : memref<50176x128xi32, #tpu.memory_space<hbm>> -> memref<112x128xi32, #tpu.memory_space<hbm>>
    %dma_wait3A_281 = arith.constant 0 : i32
    %dma_wait3A_282 = tpu.memref_slice %arg4[%add3A_274, %dma_wait3A_281] : memref<50176x128xi32, #tpu.memory_space<hbm>> -> memref<112x128xi32, #tpu.memory_space<hbm>>
    tpu.wait_dma2 semaphore(%arg10 : memref<!tpu.dma_semaphore, #tpu.memory_space<semaphore_mem>>) src(%arg6 : memref<112x128xi32, #tpu.memory_space<vmem>>) dst(%dma_wait3A_282 : memref<112x128xi32, #tpu.memory_space<hbm>>)
    %dma_start3A_283 = arith.constant 12 : i32
    %dma_start3A_284 = arith.constant 0 : i32
    %dma_start3A_285 = tpu.memref_slice %arg5[%dma_start3A_283, %dma_start3A_284] : memref<14x112xi32, #tpu.memory_space<vmem>> -> memref<1x112xi32, #tpu.memory_space<vmem>>
    %dma_start3A_286 = tpu.memref_squeeze %dma_start3A_285 : memref<1x112xi32, #tpu.memory_space<vmem>> -> memref<112xi32, #tpu.memory_space<vmem>>
    %dma_start3A_287 = arith.constant 0 : i32
    %dma_start3A_288 = arith.constant 0 : i32
    %dma_start3A_289 = tpu.memref_slice %arg2[%dma_start3A_287, %dma_start3A_288] : memref<8192x128xi32, #tpu.memory_space<hbm>> -> memref<8192x128xi32, #tpu.memory_space<hbm>>
    tpu.enqueue_indirect_dma source(%dma_start3A_289 : memref<8192x128xi32, #tpu.memory_space<hbm>>) target(%arg6 : memref<112x128xi32, #tpu.memory_space<vmem>>) offsets(%dma_start3A_286 : memref<112xi32, #tpu.memory_space<vmem>>) semaphore(%arg8 : memref<!tpu.dma_semaphore, #tpu.memory_space<semaphore_mem>>)
    %dma_wait3A_290 = arith.constant 11 : i32
    %dma_wait3A_291 = arith.constant 0 : i32
    %dma_wait3A_292 = tpu.memref_slice %arg5[%dma_wait3A_290, %dma_wait3A_291] : memref<14x112xi32, #tpu.memory_space<vmem>> -> memref<1x112xi32, #tpu.memory_space<vmem>>
    %dma_wait3A_293 = tpu.memref_squeeze %dma_wait3A_292 : memref<1x112xi32, #tpu.memory_space<vmem>> -> memref<112xi32, #tpu.memory_space<vmem>>
    %dma_wait3A_294 = arith.constant 0 : i32
    %dma_wait3A_295 = arith.constant 0 : i32
    %dma_wait3A_296 = tpu.memref_slice %arg2[%dma_wait3A_294, %dma_wait3A_295] : memref<8192x128xi32, #tpu.memory_space<hbm>> -> memref<8192x128xi32, #tpu.memory_space<hbm>>
    tpu.wait_indirect_dma semaphore(%arg9 : memref<!tpu.dma_semaphore, #tpu.memory_space<semaphore_mem>>) src(%dma_wait3A_296 : memref<8192x128xi32, #tpu.memory_space<hbm>>) dst(%arg7 : memref<112x128xi32, #tpu.memory_space<vmem>>)
    %add3A_297 = arith.constant 1232 : i32
    %add3A_298 = arith.addi %mul3A_13, %add3A_297 : i32
    %dma_start3A_299 = arith.constant 0 : i32
    %dma_start3A_300 = tpu.memref_slice %arg4[%add3A_298, %dma_start3A_299] : memref<50176x128xi32, #tpu.memory_space<hbm>> -> memref<112x128xi32, #tpu.memory_space<hbm>>
    %dma_start3A_301 = arith.constant 0 : i32
    %dma_start3A_302 = tpu.memref_slice %arg4[%add3A_298, %dma_start3A_301] : memref<50176x128xi32, #tpu.memory_space<hbm>> -> memref<112x128xi32, #tpu.memory_space<hbm>>
    tpu.enqueue_dma source(%arg7 : memref<112x128xi32, #tpu.memory_space<vmem>>) target(%dma_start3A_302 : memref<112x128xi32, #tpu.memory_space<hbm>>) target_semaphore(%arg11 : memref<!tpu.dma_semaphore, #tpu.memory_space<semaphore_mem>>)
    %dma_wait3A_303 = arith.constant 0 : i32
    %dma_wait3A_304 = tpu.memref_slice %arg4[%add3A_298, %dma_wait3A_303] : memref<50176x128xi32, #tpu.memory_space<hbm>> -> memref<112x128xi32, #tpu.memory_space<hbm>>
    %dma_wait3A_305 = arith.constant 0 : i32
    %dma_wait3A_306 = tpu.memref_slice %arg4[%add3A_298, %dma_wait3A_305] : memref<50176x128xi32, #tpu.memory_space<hbm>> -> memref<112x128xi32, #tpu.memory_space<hbm>>
    tpu.wait_dma2 semaphore(%arg11 : memref<!tpu.dma_semaphore, #tpu.memory_space<semaphore_mem>>) src(%arg7 : memref<112x128xi32, #tpu.memory_space<vmem>>) dst(%dma_wait3A_306 : memref<112x128xi32, #tpu.memory_space<hbm>>)
    %dma_start3A_307 = arith.constant 13 : i32
    %dma_start3A_308 = arith.constant 0 : i32
    %dma_start3A_309 = tpu.memref_slice %arg5[%dma_start3A_307, %dma_start3A_308] : memref<14x112xi32, #tpu.memory_space<vmem>> -> memref<1x112xi32, #tpu.memory_space<vmem>>
    %dma_start3A_310 = tpu.memref_squeeze %dma_start3A_309 : memref<1x112xi32, #tpu.memory_space<vmem>> -> memref<112xi32, #tpu.memory_space<vmem>>
    %dma_start3A_311 = arith.constant 0 : i32
    %dma_start3A_312 = arith.constant 0 : i32
    %dma_start3A_313 = tpu.memref_slice %arg2[%dma_start3A_311, %dma_start3A_312] : memref<8192x128xi32, #tpu.memory_space<hbm>> -> memref<8192x128xi32, #tpu.memory_space<hbm>>
    tpu.enqueue_indirect_dma source(%dma_start3A_313 : memref<8192x128xi32, #tpu.memory_space<hbm>>) target(%arg7 : memref<112x128xi32, #tpu.memory_space<vmem>>) offsets(%dma_start3A_310 : memref<112xi32, #tpu.memory_space<vmem>>) semaphore(%arg9 : memref<!tpu.dma_semaphore, #tpu.memory_space<semaphore_mem>>)
    %dma_wait3A_314 = arith.constant 12 : i32
    %dma_wait3A_315 = arith.constant 0 : i32
    %dma_wait3A_316 = tpu.memref_slice %arg5[%dma_wait3A_314, %dma_wait3A_315] : memref<14x112xi32, #tpu.memory_space<vmem>> -> memref<1x112xi32, #tpu.memory_space<vmem>>
    %dma_wait3A_317 = tpu.memref_squeeze %dma_wait3A_316 : memref<1x112xi32, #tpu.memory_space<vmem>> -> memref<112xi32, #tpu.memory_space<vmem>>
    %dma_wait3A_318 = arith.constant 0 : i32
    %dma_wait3A_319 = arith.constant 0 : i32
    %dma_wait3A_320 = tpu.memref_slice %arg2[%dma_wait3A_318, %dma_wait3A_319] : memref<8192x128xi32, #tpu.memory_space<hbm>> -> memref<8192x128xi32, #tpu.memory_space<hbm>>
    tpu.wait_indirect_dma semaphore(%arg8 : memref<!tpu.dma_semaphore, #tpu.memory_space<semaphore_mem>>) src(%dma_wait3A_320 : memref<8192x128xi32, #tpu.memory_space<hbm>>) dst(%arg6 : memref<112x128xi32, #tpu.memory_space<vmem>>)
    %add3A_321 = arith.constant 1344 : i32
    %add3A_322 = arith.addi %mul3A_13, %add3A_321 : i32
    %dma_start3A_323 = arith.constant 0 : i32
    %dma_start3A_324 = tpu.memref_slice %arg4[%add3A_322, %dma_start3A_323] : memref<50176x128xi32, #tpu.memory_space<hbm>> -> memref<112x128xi32, #tpu.memory_space<hbm>>
    %dma_start3A_325 = arith.constant 0 : i32
    %dma_start3A_326 = tpu.memref_slice %arg4[%add3A_322, %dma_start3A_325] : memref<50176x128xi32, #tpu.memory_space<hbm>> -> memref<112x128xi32, #tpu.memory_space<hbm>>
    tpu.enqueue_dma source(%arg6 : memref<112x128xi32, #tpu.memory_space<vmem>>) target(%dma_start3A_326 : memref<112x128xi32, #tpu.memory_space<hbm>>) target_semaphore(%arg10 : memref<!tpu.dma_semaphore, #tpu.memory_space<semaphore_mem>>)
    %dma_wait3A_327 = arith.constant 13 : i32
    %dma_wait3A_328 = arith.constant 0 : i32
    %dma_wait3A_329 = tpu.memref_slice %arg5[%dma_wait3A_327, %dma_wait3A_328] : memref<14x112xi32, #tpu.memory_space<vmem>> -> memref<1x112xi32, #tpu.memory_space<vmem>>
    %dma_wait3A_330 = tpu.memref_squeeze %dma_wait3A_329 : memref<1x112xi32, #tpu.memory_space<vmem>> -> memref<112xi32, #tpu.memory_space<vmem>>
    %dma_wait3A_331 = arith.constant 0 : i32
    %dma_wait3A_332 = arith.constant 0 : i32
    %dma_wait3A_333 = tpu.memref_slice %arg2[%dma_wait3A_331, %dma_wait3A_332] : memref<8192x128xi32, #tpu.memory_space<hbm>> -> memref<8192x128xi32, #tpu.memory_space<hbm>>
    tpu.wait_indirect_dma semaphore(%arg9 : memref<!tpu.dma_semaphore, #tpu.memory_space<semaphore_mem>>) src(%dma_wait3A_333 : memref<8192x128xi32, #tpu.memory_space<hbm>>) dst(%arg7 : memref<112x128xi32, #tpu.memory_space<vmem>>)
    %add3A_334 = arith.constant 1456 : i32
    %add3A_335 = arith.addi %mul3A_13, %add3A_334 : i32
    %dma_start3A_336 = arith.constant 0 : i32
    %dma_start3A_337 = tpu.memref_slice %arg4[%add3A_335, %dma_start3A_336] : memref<50176x128xi32, #tpu.memory_space<hbm>> -> memref<112x128xi32, #tpu.memory_space<hbm>>
    %dma_start3A_338 = arith.constant 0 : i32
    %dma_start3A_339 = tpu.memref_slice %arg4[%add3A_335, %dma_start3A_338] : memref<50176x128xi32, #tpu.memory_space<hbm>> -> memref<112x128xi32, #tpu.memory_space<hbm>>
    tpu.enqueue_dma source(%arg7 : memref<112x128xi32, #tpu.memory_space<vmem>>) target(%dma_start3A_339 : memref<112x128xi32, #tpu.memory_space<hbm>>) target_semaphore(%arg11 : memref<!tpu.dma_semaphore, #tpu.memory_space<semaphore_mem>>)
    %dma_wait3A_340 = arith.constant 0 : i32
    %dma_wait3A_341 = tpu.memref_slice %arg4[%add3A_322, %dma_wait3A_340] : memref<50176x128xi32, #tpu.memory_space<hbm>> -> memref<112x128xi32, #tpu.memory_space<hbm>>
    %dma_wait3A_342 = arith.constant 0 : i32
    %dma_wait3A_343 = tpu.memref_slice %arg4[%add3A_322, %dma_wait3A_342] : memref<50176x128xi32, #tpu.memory_space<hbm>> -> memref<112x128xi32, #tpu.memory_space<hbm>>
    tpu.wait_dma2 semaphore(%arg10 : memref<!tpu.dma_semaphore, #tpu.memory_space<semaphore_mem>>) src(%arg6 : memref<112x128xi32, #tpu.memory_space<vmem>>) dst(%dma_wait3A_343 : memref<112x128xi32, #tpu.memory_space<hbm>>)
    %dma_wait3A_344 = arith.constant 0 : i32
    %dma_wait3A_345 = tpu.memref_slice %arg4[%add3A_335, %dma_wait3A_344] : memref<50176x128xi32, #tpu.memory_space<hbm>> -> memref<112x128xi32, #tpu.memory_space<hbm>>
    %dma_wait3A_346 = arith.constant 0 : i32
    %dma_wait3A_347 = tpu.memref_slice %arg4[%add3A_335, %dma_wait3A_346] : memref<50176x128xi32, #tpu.memory_space<hbm>> -> memref<112x128xi32, #tpu.memory_space<hbm>>
    tpu.wait_dma2 semaphore(%arg11 : memref<!tpu.dma_semaphore, #tpu.memory_space<semaphore_mem>>) src(%arg7 : memref<112x128xi32, #tpu.memory_space<vmem>>) dst(%dma_wait3A_347 : memref<112x128xi32, #tpu.memory_space<hbm>>)
    return
  }
}

module attributes {stable_mosaic.version = 14 : i64} {
  func.func @_src_pool_body(%arg0: i32, %arg1: memref<2x512xf32, #tpu.memory_space<vmem>>, %arg2: memref<1x512xi32, #tpu.memory_space<vmem>>, %arg3: memref<512x128xf32, #tpu.memory_space<vmem>>, %arg4: memref<128x256xf32, #tpu.memory_space<vmem>>, %arg5: memref<1x256xf32, #tpu.memory_space<vmem>>, %arg6: memref<256x256xf32, #tpu.memory_space<vmem>>, %arg7: memref<1x256xf32, #tpu.memory_space<vmem>>, %arg8: memref<256x256xf32, #tpu.memory_space<vmem>>, %arg9: memref<8192x128xi32, #tpu.memory_space<vmem>>, %arg10: memref<256x384xf32, #tpu.memory_space<vmem>>) attributes {dimension_semantics = [#tpu.dimension_semantics<arbitrary>], iteration_bounds = array<i64: 98>, scalar_prefetch = 0 : i64, scratch_operands = 0 : i64, tpu.core_type = #tpu.core_type<tc>, window_params = [{transform_indices = @transform_0, window_bounds = array<i64: 2, 512>}, {transform_indices = @transform_1, window_bounds = array<i64: 1, 512>}, {transform_indices = @transform_2, window_bounds = array<i64: 512, 128>}, {pipeline_mode = #tpu.pipeline_mode<synchronous>, transform_indices = @transform_3, window_bounds = array<i64: 128, 256>}, {pipeline_mode = #tpu.pipeline_mode<synchronous>, transform_indices = @transform_4, window_bounds = array<i64: 1, 256>}, {pipeline_mode = #tpu.pipeline_mode<synchronous>, transform_indices = @transform_5, window_bounds = array<i64: 256, 256>}, {pipeline_mode = #tpu.pipeline_mode<synchronous>, transform_indices = @transform_6, window_bounds = array<i64: 1, 256>}, {pipeline_mode = #tpu.pipeline_mode<synchronous>, transform_indices = @transform_7, window_bounds = array<i64: 256, 256>}, {pipeline_mode = #tpu.pipeline_mode<synchronous>, transform_indices = @transform_8, window_bounds = array<i64: 8192, 128>}, {pipeline_mode = #tpu.pipeline_mode<synchronous>, transform_indices = @transform_9, window_bounds = array<i64: 256, 384>}]} {
    %get3A = arith.constant 0 : index
    %get3A_0 = arith.constant 0 : index
    %get3A_1 = vector.load %arg3[%get3A, %get3A_0] : memref<512x128xf32, #tpu.memory_space<vmem>>, vector<512x128xf32>
    %get3A_2 = arith.constant 0 : index
    %get3A_3 = arith.constant 0 : index
    %get3A_4 = vector.load %arg4[%get3A_2, %get3A_3] : memref<128x256xf32, #tpu.memory_space<vmem>>, vector<128x256xf32>
    %dot_general3A = arith.constant dense<0.000000e+00> : vector<512x256xf32>
    %dot_general3A_5 = tpu.matmul %get3A_1, %get3A_4, %dot_general3A {dimension_numbers = #tpu.dot_dimension_numbers<[1], [0], [0], [1], [0, 0, 1, 1], [], []>, transpose_lhs_hint = false} : vector<512x128xf32>, vector<128x256xf32>, vector<512x256xf32> -> vector<512x256xf32>
    %get3A_6 = arith.constant 0 : index
    %get3A_7 = arith.constant 0 : index
    %get3A_8 = vector.load %arg5[%get3A_6, %get3A_7] : memref<1x256xf32, #tpu.memory_space<vmem>>, vector<1x256xf32>
    %add3A = vector.broadcast %get3A_8 : vector<1x256xf32> to vector<512x256xf32>
    %add3A_9 = arith.addf %dot_general3A_5, %add3A : vector<512x256xf32>
    %integer_pow3A = arith.mulf %add3A_9, %add3A_9 : vector<512x256xf32>
    %integer_pow3A_10 = arith.mulf %add3A_9, %integer_pow3A : vector<512x256xf32>
    %mul3A = arith.constant 4.471500e-02 : f32
    %mul3A_11 = vector.broadcast %mul3A : f32 to vector<512x256xf32>
    %mul3A_12 = arith.mulf %mul3A_11, %integer_pow3A_10 : vector<512x256xf32>
    %add3A_13 = arith.addf %add3A_9, %mul3A_12 : vector<512x256xf32>
    %mul3A_14 = arith.constant 0.797884583 : f32
    %mul3A_15 = vector.broadcast %mul3A_14 : f32 to vector<512x256xf32>
    %mul3A_16 = arith.mulf %mul3A_15, %add3A_13 : vector<512x256xf32>
    %tanh3A = math.tanh %mul3A_16 : vector<512x256xf32>
    %add3A_17 = arith.constant 1.000000e+00 : f32
    %add3A_18 = vector.broadcast %add3A_17 : f32 to vector<512x256xf32>
    %add3A_19 = arith.addf %add3A_18, %tanh3A : vector<512x256xf32>
    %mul3A_20 = arith.constant 5.000000e-01 : f32
    %mul3A_21 = vector.broadcast %mul3A_20 : f32 to vector<512x256xf32>
    %mul3A_22 = arith.mulf %mul3A_21, %add3A_19 : vector<512x256xf32>
    %mul3A_23 = arith.mulf %add3A_9, %mul3A_22 : vector<512x256xf32>
    %get3A_24 = arith.constant 0 : index
    %get3A_25 = arith.constant 0 : index
    %get3A_26 = vector.load %arg1[%get3A_24, %get3A_25] : memref<2x512xf32, #tpu.memory_space<vmem>>, vector<2x512xf32>
    %get3A_27 = arith.constant 0 : index
    %get3A_28 = arith.constant 0 : index
    %get3A_29 = vector.load %arg2[%get3A_27, %get3A_28] : memref<1x512xi32, #tpu.memory_space<vmem>>, vector<1x512xi32>
    %slice3A = vector.extract_strided_slice %get3A_26 {offsets = [0, 0], sizes = [1, 512], strides = [1, 1]} : vector<2x512xf32> to vector<1x512xf32>
    %mul3A_30 = arith.constant 8.000000e+00 : f32
    %mul3A_31 = vector.broadcast %mul3A_30 : f32 to vector<1x512xf32>
    %mul3A_32 = arith.mulf %slice3A, %mul3A_31 : vector<1x512xf32>
    %floor3A = math.floor %mul3A_32 : vector<1x512xf32>
    %convert_element_type3A = arith.fptosi %floor3A : vector<1x512xf32> to vector<1x512xi32>
    %jit3A = arith.constant 0 : i32
    %jit3A_33 = arith.constant 7 : i32
    %max3A = vector.broadcast %jit3A : i32 to vector<1x512xi32>
    %max3A_34 = arith.maxsi %max3A, %convert_element_type3A : vector<1x512xi32>
    %min3A = vector.broadcast %jit3A_33 : i32 to vector<1x512xi32>
    %min3A_35 = arith.minsi %min3A, %max3A_34 : vector<1x512xi32>
    %slice3A_36 = vector.extract_strided_slice %get3A_26 {offsets = [1, 0], sizes = [1, 512], strides = [1, 1]} : vector<2x512xf32> to vector<1x512xf32>
    %mul3A_37 = arith.constant 8.000000e+00 : f32
    %mul3A_38 = vector.broadcast %mul3A_37 : f32 to vector<1x512xf32>
    %mul3A_39 = arith.mulf %slice3A_36, %mul3A_38 : vector<1x512xf32>
    %floor3A_40 = math.floor %mul3A_39 : vector<1x512xf32>
    %convert_element_type3A_41 = arith.fptosi %floor3A_40 : vector<1x512xf32> to vector<1x512xi32>
    %jit3A_42 = arith.constant 0 : i32
    %jit3A_43 = arith.constant 7 : i32
    %max3A_44 = vector.broadcast %jit3A_42 : i32 to vector<1x512xi32>
    %max3A_45 = arith.maxsi %max3A_44, %convert_element_type3A_41 : vector<1x512xi32>
    %min3A_46 = vector.broadcast %jit3A_43 : i32 to vector<1x512xi32>
    %min3A_47 = arith.minsi %min3A_46, %max3A_45 : vector<1x512xi32>
    %mul3A_48 = arith.constant 64 : i32
    %mul3A_49 = vector.broadcast %mul3A_48 : i32 to vector<1x512xi32>
    %mul3A_50 = arith.muli %get3A_29, %mul3A_49 : vector<1x512xi32>
    %mul3A_51 = arith.constant 8 : i32
    %mul3A_52 = vector.broadcast %mul3A_51 : i32 to vector<1x512xi32>
    %mul3A_53 = arith.muli %min3A_35, %mul3A_52 : vector<1x512xi32>
    %add3A_54 = arith.addi %mul3A_50, %mul3A_53 : vector<1x512xi32>
    %add3A_55 = arith.addi %add3A_54, %min3A_47 : vector<1x512xi32>
    %iota3A = tpu.iota {dimensions = array<i32: 1>} : vector<256x512xi32>
    %iota3A_56 = tpu.iota {dimensions = array<i32: 0>} : vector<256x512xi32>
    %eq3A = vector.broadcast %add3A_55 : vector<1x512xi32> to vector<256x512xi32>
    %eq3A_57 = arith.cmpi eq, %eq3A, %iota3A_56 : vector<256x512xi32>
    %mul3A_58 = arith.constant 512 : i32
    %mul3A_59 = arith.muli %arg0, %mul3A_58 : i32
    %add3A_60 = vector.broadcast %mul3A_59 : i32 to vector<256x512xi32>
    %add3A_61 = arith.addi %add3A_60, %iota3A : vector<256x512xi32>
    %lt3A = arith.constant 50000 : i32
    %lt3A_62 = vector.broadcast %lt3A : i32 to vector<256x512xi32>
    %lt3A_63 = arith.cmpi slt, %add3A_61, %lt3A_62 : vector<256x512xi32>
    %and3A = arith.andi %eq3A_57, %lt3A_63 : vector<256x512xi1>
    %jit3A_64 = arith.constant 1.000000e+00 : f32
    %jit3A_65 = arith.constant 0.000000e+00 : f32
    %broadcast_in_dim3A = vector.broadcast %jit3A_64 : f32 to vector<256x512xf32>
    %broadcast_in_dim3A_66 = vector.broadcast %jit3A_65 : f32 to vector<256x512xf32>
    %select_n3A = arith.select %and3A, %broadcast_in_dim3A, %broadcast_in_dim3A_66 : vector<256x512xi1>, vector<256x512xf32>
    %dot_general3A_67 = arith.constant dense<0.000000e+00> : vector<256x256xf32>
    %dot_general3A_68 = tpu.matmul %select_n3A, %mul3A_23, %dot_general3A_67 {dimension_numbers = #tpu.dot_dimension_numbers<[1], [0], [0], [1], [0, 0, 1, 1], [], []>, transpose_lhs_hint = false} : vector<256x512xf32>, vector<512x256xf32>, vector<256x256xf32> -> vector<256x256xf32>
    %reduce_sum3A = arith.constant dense<0.000000e+00> : vector<256xf32>
    %reduce_sum3A_69 = vector.multi_reduction <add>, %select_n3A, %reduce_sum3A [1] : vector<256x512xf32> to vector<256xf32>
    %broadcast_in_dim3A_70 = vector.shape_cast %reduce_sum3A_69 : vector<256xf32> to vector<256x1xf32>
    %eq3A_71 = arith.constant 0 : i32
    %eq3A_72 = arith.cmpi eq, %arg0, %eq3A_71 : i32
    %convert_element_type3A_73 = arith.extui %eq3A_72 : i1 to i32
    %cond3A = arith.constant 0 : i32
    %cond3A_74 = arith.cmpi ne, %convert_element_type3A_73, %cond3A : i32
    scf.if %cond3A_74 {
      %swap3A = arith.constant 0 : index
      %swap3A_84 = arith.constant 0 : index
      %swap3A_85 = vector.load %arg10[%swap3A, %swap3A_84] : memref<256x384xf32, #tpu.memory_space<vmem>>, vector<256x256xf32>
      tpu.vector_store %arg10[%swap3A, %swap3A_84], %dot_general3A_68 {strides = array<i32>} : memref<256x384xf32, #tpu.memory_space<vmem>>, vector<256x256xf32>,
      %swap3A_86 = arith.constant 0 : index
      %swap3A_87 = arith.constant 256 : index
      %swap3A_88 = vector.load %arg10[%swap3A_86, %swap3A_87] : memref<256x384xf32, #tpu.memory_space<vmem>>, vector<256x1xf32>
      tpu.vector_store %arg10[%swap3A_86, %swap3A_87], %broadcast_in_dim3A_70 {strides = array<i32>} : memref<256x384xf32, #tpu.memory_space<vmem>>, vector<256x1xf32>,
    } else {
    }
    %gt3A = arith.constant 0 : i32
    %gt3A_75 = arith.cmpi sgt, %arg0, %gt3A : i32
    %convert_element_type3A_76 = arith.extui %gt3A_75 : i1 to i32
    %cond3A_77 = arith.constant 0 : i32
    %cond3A_78 = arith.cmpi ne, %convert_element_type3A_76, %cond3A_77 : i32
    scf.if %cond3A_78 {
      %get3A_84 = arith.constant 0 : index
      %get3A_85 = arith.constant 0 : index
      %get3A_86 = vector.load %arg10[%get3A_84, %get3A_85] : memref<256x384xf32, #tpu.memory_space<vmem>>, vector<256x256xf32>
      %add3A_87 = arith.addf %get3A_86, %dot_general3A_68 : vector<256x256xf32>
      %swap3A = arith.constant 0 : index
      %swap3A_88 = arith.constant 0 : index
      %swap3A_89 = vector.load %arg10[%swap3A, %swap3A_88] : memref<256x384xf32, #tpu.memory_space<vmem>>, vector<256x256xf32>
      tpu.vector_store %arg10[%swap3A, %swap3A_88], %add3A_87 {strides = array<i32>} : memref<256x384xf32, #tpu.memory_space<vmem>>, vector<256x256xf32>,
      %get3A_90 = arith.constant 0 : index
      %get3A_91 = arith.constant 256 : index
      %get3A_92 = vector.load %arg10[%get3A_90, %get3A_91] : memref<256x384xf32, #tpu.memory_space<vmem>>, vector<256x1xf32>
      %add3A_93 = arith.addf %get3A_92, %broadcast_in_dim3A_70 : vector<256x1xf32>
      %swap3A_94 = arith.constant 0 : index
      %swap3A_95 = arith.constant 256 : index
      %swap3A_96 = vector.load %arg10[%swap3A_94, %swap3A_95] : memref<256x384xf32, #tpu.memory_space<vmem>>, vector<256x1xf32>
      tpu.vector_store %arg10[%swap3A_94, %swap3A_95], %add3A_93 {strides = array<i32>} : memref<256x384xf32, #tpu.memory_space<vmem>>, vector<256x1xf32>,
    } else {
    }
    %eq3A_79 = arith.constant 97 : i32
    %eq3A_80 = arith.cmpi eq, %arg0, %eq3A_79 : i32
    %convert_element_type3A_81 = arith.extui %eq3A_80 : i1 to i32
    %cond3A_82 = arith.constant 0 : i32
    %cond3A_83 = arith.cmpi ne, %convert_element_type3A_81, %cond3A_82 : i32
    scf.if %cond3A_83 {
      %get3A_84 = arith.constant 0 : index
      %get3A_85 = arith.constant 0 : index
      %get3A_86 = vector.load %arg10[%get3A_84, %get3A_85] : memref<256x384xf32, #tpu.memory_space<vmem>>, vector<256x384xf32>
      %slice3A_87 = vector.extract_strided_slice %get3A_86 {offsets = [0, 0], sizes = [256, 256], strides = [1, 1]} : vector<256x384xf32> to vector<256x256xf32>
      %slice3A_88 = vector.extract_strided_slice %get3A_86 {offsets = [0, 256], sizes = [256, 1], strides = [1, 1]} : vector<256x384xf32> to vector<256x1xf32>
      %get3A_89 = arith.constant 0 : index
      %get3A_90 = arith.constant 0 : index
      %get3A_91 = vector.load %arg6[%get3A_89, %get3A_90] : memref<256x256xf32, #tpu.memory_space<vmem>>, vector<256x256xf32>
      %dot_general3A_92 = arith.constant dense<0.000000e+00> : vector<256x256xf32>
      %dot_general3A_93 = tpu.matmul %slice3A_87, %get3A_91, %dot_general3A_92 {dimension_numbers = #tpu.dot_dimension_numbers<[1], [0], [0], [1], [0, 0, 1, 1], [], []>, transpose_lhs_hint = false} : vector<256x256xf32>, vector<256x256xf32>, vector<256x256xf32> -> vector<256x256xf32>
      %get3A_94 = arith.constant 0 : index
      %get3A_95 = arith.constant 0 : index
      %get3A_96 = vector.load %arg7[%get3A_94, %get3A_95] : memref<1x256xf32, #tpu.memory_space<vmem>>, vector<1x256xf32>
      %mul3A_97 = vector.broadcast %slice3A_88 : vector<256x1xf32> to vector<256x256xf32>
      %mul3A_98 = vector.broadcast %get3A_96 : vector<1x256xf32> to vector<256x256xf32>
      %mul3A_99 = arith.mulf %mul3A_97, %mul3A_98 : vector<256x256xf32>
      %add3A_100 = arith.addf %dot_general3A_93, %mul3A_99 : vector<256x256xf32>
      %max3A_101 = arith.constant 1.000000e+00 : f32
      %max3A_102 = vector.broadcast %max3A_101 : f32 to vector<256x1xf32>
      %max3A_103 = arith.maximumf %slice3A_88, %max3A_102 : vector<256x1xf32>
      %div3A = vector.broadcast %max3A_103 : vector<256x1xf32> to vector<256x256xf32>
      %div3A_104 = arith.divf %add3A_100, %div3A : vector<256x256xf32>
      %get3A_105 = arith.constant 0 : index
      %get3A_106 = arith.constant 0 : index
      %get3A_107 = vector.load %arg8[%get3A_105, %get3A_106] : memref<256x256xf32, #tpu.memory_space<vmem>>, vector<256x256xf32>
      %dot_general3A_108 = arith.constant dense<0.000000e+00> : vector<256x256xf32>
      %dot_general3A_109 = tpu.matmul %div3A_104, %get3A_107, %dot_general3A_108 {dimension_numbers = #tpu.dot_dimension_numbers<[1], [0], [0], [1], [0, 0, 1, 1], [], []>, transpose_lhs_hint = false} : vector<256x256xf32>, vector<256x256xf32>, vector<256x256xf32> -> vector<256x256xf32>
      %bitcast_convert_type3A = tpu.bitcast %dot_general3A_109 : vector<256x256xf32> -> vector<256x256xi32>
      %slice3A_110 = vector.extract_strided_slice %bitcast_convert_type3A {offsets = [0, 0], sizes = [256, 128], strides = [1, 1]} : vector<256x256xi32> to vector<256x128xi32>
      %add3A_111 = arith.constant 32768 : i32
      %add3A_112 = vector.broadcast %add3A_111 : i32 to vector<256x128xi32>
      %add3A_113 = arith.addi %slice3A_110, %add3A_112 : vector<256x128xi32>
      %and3A_114 = arith.constant -65536 : i32
      %and3A_115 = vector.broadcast %and3A_114 : i32 to vector<256x128xi32>
      %and3A_116 = arith.andi %add3A_113, %and3A_115 : vector<256x128xi32>
      %slice3A_117 = vector.extract_strided_slice %bitcast_convert_type3A {offsets = [0, 128], sizes = [256, 128], strides = [1, 1]} : vector<256x256xi32> to vector<256x128xi32>
      %add3A_118 = arith.constant 32768 : i32
      %add3A_119 = vector.broadcast %add3A_118 : i32 to vector<256x128xi32>
      %add3A_120 = arith.addi %slice3A_117, %add3A_119 : vector<256x128xi32>
      %shift_right_logical3A = arith.constant 16 : i32
      %shift_right_logical3A_121 = vector.broadcast %shift_right_logical3A : i32 to vector<256x128xi32>
      %shift_right_logical3A_122 = arith.shrui %add3A_120, %shift_right_logical3A_121 : vector<256x128xi32>
      %or3A = arith.ori %and3A_116, %shift_right_logical3A_122 : vector<256x128xi32>
      %bitcast_convert_type3A_123 = tpu.bitcast %or3A : vector<256x128xi32> -> vector<256x128xi32>
      %broadcast_in_dim3A_124 = vector.shape_cast %bitcast_convert_type3A_123 : vector<256x128xi32> to vector<1x256x128xi32>
      %broadcast_in_dim3A_125 = vector.shape_cast %broadcast_in_dim3A_124 : vector<1x256x128xi32> to vector<1x256x128xi32>
      %broadcast_in_dim3A_126 = vector.broadcast %broadcast_in_dim3A_125 : vector<1x256x128xi32> to vector<32x256x128xi32>
      %reshape3A = vector.shape_cast %broadcast_in_dim3A_126 : vector<32x256x128xi32> to vector<8192x128xi32>
      %swap3A = arith.constant 0 : index
      %swap3A_127 = arith.constant 0 : index
      %swap3A_128 = vector.load %arg9[%swap3A, %swap3A_127] : memref<8192x128xi32, #tpu.memory_space<vmem>>, vector<8192x128xi32>
      tpu.vector_store %arg9[%swap3A, %swap3A_127], %reshape3A {strides = array<i32>} : memref<8192x128xi32, #tpu.memory_space<vmem>>, vector<8192x128xi32>,
    } else {
    }
    return
  }
  func.func @transform_0(%arg0: i32) -> (i32, i32) {
    %c0_i32 = arith.constant 0 : i32
    %c0_i32_0 = arith.constant 0 : i32
    return %c0_i32, %arg0 : i32, i32
  }
  func.func @transform_1(%arg0: i32) -> (i32, i32) {
    %c0_i32 = arith.constant 0 : i32
    %c0_i32_0 = arith.constant 0 : i32
    return %c0_i32, %arg0 : i32, i32
  }
  func.func @transform_2(%arg0: i32) -> (i32, i32) {
    %c0_i32 = arith.constant 0 : i32
    %c0_i32_0 = arith.constant 0 : i32
    return %arg0, %c0_i32 : i32, i32
  }
  func.func @transform_3(%arg0: i32) -> (i32, i32) {
    %c0_i32 = arith.constant 0 : i32
    %c0_i32_0 = arith.constant 0 : i32
    %c0_i32_1 = arith.constant 0 : i32
    return %c0_i32, %c0_i32_0 : i32, i32
  }
  func.func @transform_4(%arg0: i32) -> (i32, i32) {
    %c0_i32 = arith.constant 0 : i32
    %c0_i32_0 = arith.constant 0 : i32
    %c0_i32_1 = arith.constant 0 : i32
    return %c0_i32, %c0_i32_0 : i32, i32
  }
  func.func @transform_5(%arg0: i32) -> (i32, i32) {
    %c0_i32 = arith.constant 0 : i32
    %c0_i32_0 = arith.constant 0 : i32
    %c0_i32_1 = arith.constant 0 : i32
    return %c0_i32, %c0_i32_0 : i32, i32
  }
  func.func @transform_6(%arg0: i32) -> (i32, i32) {
    %c0_i32 = arith.constant 0 : i32
    %c0_i32_0 = arith.constant 0 : i32
    %c0_i32_1 = arith.constant 0 : i32
    return %c0_i32, %c0_i32_0 : i32, i32
  }
  func.func @transform_7(%arg0: i32) -> (i32, i32) {
    %c0_i32 = arith.constant 0 : i32
    %c0_i32_0 = arith.constant 0 : i32
    %c0_i32_1 = arith.constant 0 : i32
    return %c0_i32, %c0_i32_0 : i32, i32
  }
  func.func @transform_8(%arg0: i32) -> (i32, i32) {
    %c0_i32 = arith.constant 0 : i32
    %c0_i32_0 = arith.constant 0 : i32
    %c0_i32_1 = arith.constant 0 : i32
    return %c0_i32, %c0_i32_0 : i32, i32
  }
  func.func @transform_9(%arg0: i32) -> (i32, i32) {
    %c0_i32 = arith.constant 0 : i32
    %c0_i32_0 = arith.constant 0 : i32
    %c0_i32_1 = arith.constant 0 : i32
    return %c0_i32, %c0_i32_0 : i32, i32
  }
}

module attributes {stable_mosaic.version = 14 : i64} {
  func.func @_tgt_mlp_body(%arg0: i32, %arg1: memref<512x128xi32, #tpu.memory_space<vmem>>, %arg2: memref<512x2xf32, #tpu.memory_space<vmem>>, %arg3: memref<2x256xf32, #tpu.memory_space<vmem>>, %arg4: memref<1x256xf32, #tpu.memory_space<vmem>>, %arg5: memref<256x128xf32, #tpu.memory_space<vmem>>, %arg6: memref<1x128xf32, #tpu.memory_space<vmem>>, %arg7: memref<512x128xf32, #tpu.memory_space<vmem>>) attributes {dimension_semantics = [#tpu.dimension_semantics<parallel>], iteration_bounds = array<i64: 98>, scalar_prefetch = 0 : i64, scratch_operands = 0 : i64, tpu.core_type = #tpu.core_type<tc>, window_params = [{transform_indices = @transform_0, window_bounds = array<i64: 512, 128>}, {transform_indices = @transform_1, window_bounds = array<i64: 512, 2>}, {pipeline_mode = #tpu.pipeline_mode<synchronous>, transform_indices = @transform_2, window_bounds = array<i64: 2, 256>}, {pipeline_mode = #tpu.pipeline_mode<synchronous>, transform_indices = @transform_3, window_bounds = array<i64: 1, 256>}, {pipeline_mode = #tpu.pipeline_mode<synchronous>, transform_indices = @transform_4, window_bounds = array<i64: 256, 128>}, {pipeline_mode = #tpu.pipeline_mode<synchronous>, transform_indices = @transform_5, window_bounds = array<i64: 1, 128>}, {transform_indices = @transform_6, window_bounds = array<i64: 512, 128>}]} {
    %get3A = arith.constant 0 : index
    %get3A_0 = arith.constant 0 : index
    %get3A_1 = vector.load %arg2[%get3A, %get3A_0] : memref<512x2xf32, #tpu.memory_space<vmem>>, vector<512x2xf32>
    %get3A_2 = arith.constant 0 : index
    %get3A_3 = arith.constant 0 : index
    %get3A_4 = vector.load %arg3[%get3A_2, %get3A_3] : memref<2x256xf32, #tpu.memory_space<vmem>>, vector<2x256xf32>
    %slice3A = vector.extract_strided_slice %get3A_1 {offsets = [0, 0], sizes = [512, 1], strides = [1, 1]} : vector<512x2xf32> to vector<512x1xf32>
    %slice3A_5 = vector.extract_strided_slice %get3A_4 {offsets = [0, 0], sizes = [1, 256], strides = [1, 1]} : vector<2x256xf32> to vector<1x256xf32>
    %mul3A = vector.broadcast %slice3A : vector<512x1xf32> to vector<512x256xf32>
    %mul3A_6 = vector.broadcast %slice3A_5 : vector<1x256xf32> to vector<512x256xf32>
    %mul3A_7 = arith.mulf %mul3A, %mul3A_6 : vector<512x256xf32>
    %slice3A_8 = vector.extract_strided_slice %get3A_1 {offsets = [0, 1], sizes = [512, 1], strides = [1, 1]} : vector<512x2xf32> to vector<512x1xf32>
    %slice3A_9 = vector.extract_strided_slice %get3A_4 {offsets = [1, 0], sizes = [1, 256], strides = [1, 1]} : vector<2x256xf32> to vector<1x256xf32>
    %mul3A_10 = vector.broadcast %slice3A_8 : vector<512x1xf32> to vector<512x256xf32>
    %mul3A_11 = vector.broadcast %slice3A_9 : vector<1x256xf32> to vector<512x256xf32>
    %mul3A_12 = arith.mulf %mul3A_10, %mul3A_11 : vector<512x256xf32>
    %add3A = arith.addf %mul3A_7, %mul3A_12 : vector<512x256xf32>
    %get3A_13 = arith.constant 0 : index
    %get3A_14 = arith.constant 0 : index
    %get3A_15 = vector.load %arg4[%get3A_13, %get3A_14] : memref<1x256xf32, #tpu.memory_space<vmem>>, vector<1x256xf32>
    %get3A_16 = arith.constant 0 : index
    %get3A_17 = arith.constant 0 : index
    %get3A_18 = vector.load %arg1[%get3A_16, %get3A_17] : memref<512x128xi32, #tpu.memory_space<vmem>>, vector<512x128xi32>
    %bitcast_convert_type3A = tpu.bitcast %get3A_18 : vector<512x128xi32> -> vector<512x128xi32>
    %and3A = arith.constant -65536 : i32
    %and3A_19 = vector.broadcast %and3A : i32 to vector<512x128xi32>
    %and3A_20 = arith.andi %bitcast_convert_type3A, %and3A_19 : vector<512x128xi32>
    %bitcast_convert_type3A_21 = tpu.bitcast %and3A_20 : vector<512x128xi32> -> vector<512x128xf32>
    %shift_left3A = arith.constant 16 : i32
    %shift_left3A_22 = vector.broadcast %shift_left3A : i32 to vector<512x128xi32>
    %shift_left3A_23 = arith.shli %bitcast_convert_type3A, %shift_left3A_22 : vector<512x128xi32>
    %bitcast_convert_type3A_24 = tpu.bitcast %shift_left3A_23 : vector<512x128xi32> -> vector<512x128xf32>
    %slice3A_25 = vector.extract_strided_slice %add3A {offsets = [0, 0], sizes = [512, 128], strides = [1, 1]} : vector<512x256xf32> to vector<512x128xf32>
    %add3A_26 = arith.addf %bitcast_convert_type3A_21, %slice3A_25 : vector<512x128xf32>
    %slice3A_27 = vector.extract_strided_slice %get3A_15 {offsets = [0, 0], sizes = [1, 128], strides = [1, 1]} : vector<1x256xf32> to vector<1x128xf32>
    %add3A_28 = vector.broadcast %slice3A_27 : vector<1x128xf32> to vector<512x128xf32>
    %add3A_29 = arith.addf %add3A_26, %add3A_28 : vector<512x128xf32>
    %integer_pow3A = arith.mulf %add3A_29, %add3A_29 : vector<512x128xf32>
    %integer_pow3A_30 = arith.mulf %add3A_29, %integer_pow3A : vector<512x128xf32>
    %mul3A_31 = arith.constant 4.471500e-02 : f32
    %mul3A_32 = vector.broadcast %mul3A_31 : f32 to vector<512x128xf32>
    %mul3A_33 = arith.mulf %mul3A_32, %integer_pow3A_30 : vector<512x128xf32>
    %add3A_34 = arith.addf %add3A_29, %mul3A_33 : vector<512x128xf32>
    %mul3A_35 = arith.constant 0.797884583 : f32
    %mul3A_36 = vector.broadcast %mul3A_35 : f32 to vector<512x128xf32>
    %mul3A_37 = arith.mulf %mul3A_36, %add3A_34 : vector<512x128xf32>
    %tanh3A = math.tanh %mul3A_37 : vector<512x128xf32>
    %add3A_38 = arith.constant 1.000000e+00 : f32
    %add3A_39 = vector.broadcast %add3A_38 : f32 to vector<512x128xf32>
    %add3A_40 = arith.addf %add3A_39, %tanh3A : vector<512x128xf32>
    %mul3A_41 = arith.constant 5.000000e-01 : f32
    %mul3A_42 = vector.broadcast %mul3A_41 : f32 to vector<512x128xf32>
    %mul3A_43 = arith.mulf %mul3A_42, %add3A_40 : vector<512x128xf32>
    %mul3A_44 = arith.mulf %add3A_29, %mul3A_43 : vector<512x128xf32>
    %slice3A_45 = vector.extract_strided_slice %add3A {offsets = [0, 128], sizes = [512, 128], strides = [1, 1]} : vector<512x256xf32> to vector<512x128xf32>
    %add3A_46 = arith.addf %bitcast_convert_type3A_24, %slice3A_45 : vector<512x128xf32>
    %slice3A_47 = vector.extract_strided_slice %get3A_15 {offsets = [0, 128], sizes = [1, 128], strides = [1, 1]} : vector<1x256xf32> to vector<1x128xf32>
    %add3A_48 = vector.broadcast %slice3A_47 : vector<1x128xf32> to vector<512x128xf32>
    %add3A_49 = arith.addf %add3A_46, %add3A_48 : vector<512x128xf32>
    %integer_pow3A_50 = arith.mulf %add3A_49, %add3A_49 : vector<512x128xf32>
    %integer_pow3A_51 = arith.mulf %add3A_49, %integer_pow3A_50 : vector<512x128xf32>
    %mul3A_52 = arith.constant 4.471500e-02 : f32
    %mul3A_53 = vector.broadcast %mul3A_52 : f32 to vector<512x128xf32>
    %mul3A_54 = arith.mulf %mul3A_53, %integer_pow3A_51 : vector<512x128xf32>
    %add3A_55 = arith.addf %add3A_49, %mul3A_54 : vector<512x128xf32>
    %mul3A_56 = arith.constant 0.797884583 : f32
    %mul3A_57 = vector.broadcast %mul3A_56 : f32 to vector<512x128xf32>
    %mul3A_58 = arith.mulf %mul3A_57, %add3A_55 : vector<512x128xf32>
    %tanh3A_59 = math.tanh %mul3A_58 : vector<512x128xf32>
    %add3A_60 = arith.constant 1.000000e+00 : f32
    %add3A_61 = vector.broadcast %add3A_60 : f32 to vector<512x128xf32>
    %add3A_62 = arith.addf %add3A_61, %tanh3A_59 : vector<512x128xf32>
    %mul3A_63 = arith.constant 5.000000e-01 : f32
    %mul3A_64 = vector.broadcast %mul3A_63 : f32 to vector<512x128xf32>
    %mul3A_65 = arith.mulf %mul3A_64, %add3A_62 : vector<512x128xf32>
    %mul3A_66 = arith.mulf %add3A_49, %mul3A_65 : vector<512x128xf32>
    %get3A_67 = arith.constant 0 : index
    %get3A_68 = arith.constant 0 : index
    %get3A_69 = vector.load %arg5[%get3A_67, %get3A_68] : memref<256x128xf32, #tpu.memory_space<vmem>>, vector<256x128xf32>
    %slice3A_70 = vector.extract_strided_slice %get3A_69 {offsets = [0, 0], sizes = [128, 128], strides = [1, 1]} : vector<256x128xf32> to vector<128x128xf32>
    %dot_general3A = arith.constant dense<0.000000e+00> : vector<512x128xf32>
    %dot_general3A_71 = tpu.matmul %mul3A_44, %slice3A_70, %dot_general3A {dimension_numbers = #tpu.dot_dimension_numbers<[1], [0], [0], [1], [0, 0, 1, 1], [], []>, transpose_lhs_hint = false} : vector<512x128xf32>, vector<128x128xf32>, vector<512x128xf32> -> vector<512x128xf32>
    %slice3A_72 = vector.extract_strided_slice %get3A_69 {offsets = [128, 0], sizes = [128, 128], strides = [1, 1]} : vector<256x128xf32> to vector<128x128xf32>
    %dot_general3A_73 = arith.constant dense<0.000000e+00> : vector<512x128xf32>
    %dot_general3A_74 = tpu.matmul %mul3A_66, %slice3A_72, %dot_general3A_73 {dimension_numbers = #tpu.dot_dimension_numbers<[1], [0], [0], [1], [0, 0, 1, 1], [], []>, transpose_lhs_hint = false} : vector<512x128xf32>, vector<128x128xf32>, vector<512x128xf32> -> vector<512x128xf32>
    %add3A_75 = arith.addf %dot_general3A_71, %dot_general3A_74 : vector<512x128xf32>
    %get3A_76 = arith.constant 0 : index
    %get3A_77 = arith.constant 0 : index
    %get3A_78 = vector.load %arg6[%get3A_76, %get3A_77] : memref<1x128xf32, #tpu.memory_space<vmem>>, vector<1x128xf32>
    %add3A_79 = vector.broadcast %get3A_78 : vector<1x128xf32> to vector<512x128xf32>
    %add3A_80 = arith.addf %add3A_75, %add3A_79 : vector<512x128xf32>
    %swap3A = arith.constant 0 : index
    %swap3A_81 = arith.constant 0 : index
    %swap3A_82 = vector.load %arg7[%swap3A, %swap3A_81] : memref<512x128xf32, #tpu.memory_space<vmem>>, vector<512x128xf32>
    tpu.vector_store %arg7[%swap3A, %swap3A_81], %add3A_80 {strides = array<i32>} : memref<512x128xf32, #tpu.memory_space<vmem>>, vector<512x128xf32>,
    return
  }
  func.func @transform_0(%arg0: i32) -> (i32, i32) {
    %c0_i32 = arith.constant 0 : i32
    %c0_i32_0 = arith.constant 0 : i32
    return %arg0, %c0_i32 : i32, i32
  }
  func.func @transform_1(%arg0: i32) -> (i32, i32) {
    %c0_i32 = arith.constant 0 : i32
    %c0_i32_0 = arith.constant 0 : i32
    return %arg0, %c0_i32 : i32, i32
  }
  func.func @transform_2(%arg0: i32) -> (i32, i32) {
    %c0_i32 = arith.constant 0 : i32
    %c0_i32_0 = arith.constant 0 : i32
    %c0_i32_1 = arith.constant 0 : i32
    return %c0_i32, %c0_i32_0 : i32, i32
  }
  func.func @transform_3(%arg0: i32) -> (i32, i32) {
    %c0_i32 = arith.constant 0 : i32
    %c0_i32_0 = arith.constant 0 : i32
    %c0_i32_1 = arith.constant 0 : i32
    return %c0_i32, %c0_i32_0 : i32, i32
  }
  func.func @transform_4(%arg0: i32) -> (i32, i32) {
    %c0_i32 = arith.constant 0 : i32
    %c0_i32_0 = arith.constant 0 : i32
    %c0_i32_1 = arith.constant 0 : i32
    return %c0_i32, %c0_i32_0 : i32, i32
  }
  func.func @transform_5(%arg0: i32) -> (i32, i32) {
    %c0_i32 = arith.constant 0 : i32
    %c0_i32_0 = arith.constant 0 : i32
    %c0_i32_1 = arith.constant 0 : i32
    return %c0_i32, %c0_i32_0 : i32, i32
  }
  func.func @transform_6(%arg0: i32) -> (i32, i32) {
    %c0_i32 = arith.constant 0 : i32
    %c0_i32_0 = arith.constant 0 : i32
    return %arg0, %c0_i32 : i32, i32
  }
}

</mosaic_0001>

<sc_bundles>
// kernel: kernel.5.cloned.1.call-start
scs
__scs_entry_jumppad:
0x0: {  	(pc) =	sbr.rel $0x88, $3  }
0x1: {  	(tag) =	ssettag $0x0;
	lr =	simm.s32 $0x1  }
0x2: {  	[smem:$0x3F94] =	sst lr;
	_ =	strace $0xD0000000  }
0x3: {  	_ = 	snop  }
0x4: {  	_ = 	snop  }
0x5: {  	_ = 	snop  }
0x6: {  	_ = 	snop  }
0x7: {  	_ = 	snop  }
__scs_overlays_trampoline_lowered:
0x8: {  	[smem:$0x3FA3] =	sst s0  }
0x9: {  	[smem:$0x3FA4] =	sst s1  }
0xa: {  	[smem:$0x3FA5] =	sst s2  }
0xb: {  	[smem:$0x3FA6] =	sst s3  }
0xc: {  	[smem:$0x3FA7] =	sst s4  }
0xd: {  	[smem:$0x3FA8] =	sst s5  }
0xe: {  	[smem:$0x3FA9] =	sst s6  }
0xf: {  	[smem:$0x3FAA] =	sst s7  }
0x10: {  	[smem:$0x3FAB] =	sst s8  }
0x11: {  	[smem:$0x3FAC] =	sst s9;
	s0 =	simm.s32 @!p0 $0x0  }
0x12: {  	s1 =	sld [smem:$0x3F92];
	s0 =	simm.s32 @p0 $0x1  }
0x13: {  	[smem:$0x3FAD] =	sst s0;
	s0 =	simm.s32 @!p1 $0x0  }
0x14: {  	s2 =	sld [smem:$0x3F91];
	s0 =	simm.s32 @p1 $0x1  }
0x15: {  	[smem:$0x3FAE] =	sst s0;
	s0 =	simm.s32 @!p2 $0x0  }
0x16: {  	s3 =	sld [smem:$0x3FDB];
	s0 =	simm.s32 @p2 $0x1  }
0x17: {  	s4 =	simm.s32 $0x1BF5;
	[smem:$0x3FB0] =	sst s0  }
0x18: {  	s0 =	sld [smem:$0x3F93];
	_ =	swait.ge [sflag:s4], $0x0  }
0x19: {  	s7 =	sld [smem:$0x3F94]  }
0x1a: {  	s8 =	sadd.s32 $0xFFFFE003, lr  }
0x1b: {  	s9 =	sadd.s32 $0xFFFFFEF7, lr;
	s5 =	simm.s32 $0xFFFFFFFF;
	p2 =	slt.u32 s8, $0xFFFFF086  }
0x1c: {  	p1 =	slt.u32 s9, $0xF7A;
	s5 =	simm.s32 @!p2 $0x0  }
0x1d: {  	s5 =	simm.s32 @p1 $0x1;
	p0 =	seq.s32 s7, s2  }
0x1e: {  	s7 =	smul.u32 @!p0 $0xF7A, s2;
	p2 =	seq.s32 @!p0 s5, $0x0  }
0x1f: {  	s9 =	smul.u32 $0xF7A, s1;
	s8 =	simm.s32 @!p0 $0x1BF5;
	p2 =	por !p2, p0  }
0x20: {  	[sflag:s8] =	ssyncset.s32 @!p0 $0xFFFFF086;
	s6 =	sadd.s32 @!p0 s3, s7;
	s7 =	simm.s32 @!p0 $0x108  }
0x21: {  	s3 =	sadd.s32 s3, s9;
	s6 =	sadd.s32 @!p0 $0x88, s6;
	s7 =	simm.s32 @p2 $0x1082  }
0x22: {  	[simem:s7], [sflag:s8] =	dma.local @!p0 [hbm:s6], $0xF7A  }
0x23: {  	s9 =	sor.u32 $0xD0000000, s2;
	s6 =	simm.s32 $0x108;
	_ =	swait.ge @!p0 [sflag:s8], $0x0  }
0x24: {  	s3 =	sadd.s32 $0x88, s3;
	s6 =	simm.s32 @!p1 $0x1082;
	[sflag:s4] =	ssyncset.s32 $0xFFFFF086  }
0x25: {  	[simem:s6], [sflag:s4] =	dma.local [hbm:s3], $0xF7A  }
0x26: {  	[smem:$0x3F94] =	sst s1;
	(tag) =	ssettag s2;
	_ =	strace s9  }
0x27: {  	s1 =	sld [smem:$0x3FA4]  }
0x28: {  	s2 =	sld [smem:$0x3FA5]  }
0x29: {  	s4 =	sld [smem:$0x3FA7]  }
0x2a: {  	p0 =	seq.s32 s5, $0x0;
	s5 =	sld [smem:$0x3FA8]  }
0x2b: {  	s6 =	sld [smem:$0x3FA9]  }
0x2c: {  	s7 =	sld [smem:$0x3FAA]  }
0x2d: {  	s3 =	simm.s32 $0x108;
	s8 =	sld [smem:$0x3FAB]  }
0x2e: {  	s3 =	simm.s32 @!p0 $0x1082;
	s9 =	sld [smem:$0x3FAC]  }
0x2f: {  	lr =	sadd.s32 s0, s3;
	s0 =	sld [smem:$0x3FA3]  }
0x30: {  	s3 =	sld [smem:$0x3FA6]  }
0x31: {  	[smem:$0x3FAF] =	sst s10  }
0x32: {  	s10 =	sld [smem:$0x3FAD];
	_ =	sdelay $0x3  }
0x33: {  	p0 =	seq.s32 s10, $0x1;
	s10 =	sld [smem:$0x3FAF];
	_ =	sdelay $0x3  }
0x34: {  	[smem:$0x3FAF] =	sst s10  }
0x35: {  	s10 =	sld [smem:$0x3FAE];
	_ =	sdelay $0x3  }
0x36: {  	p1 =	seq.s32 s10, $0x1;
	s10 =	sld [smem:$0x3FAF];
	_ =	sdelay $0x3  }
0x37: {  	[smem:$0x3FAF] =	sst s10  }
0x38: {  	s10 =	sld [smem:$0x3FB0]  }
0x39: {  	_ = 	snop;
	(pc) =	sbr.ind lr, $3  }
0x3a: {  	_ = 	snop  }
0x3b: {  	_ = 	snop  }
0x3c: {  	p2 =	seq.s32 s10, $0x1;
	s10 =	sld [smem:$0x3FAF]  }
0x3d: {  	_ =	shalt  }
0x3e: {  	_ =	shalt  }
0x3f: {  	_ =	shalt  }
0x40: {  	_ =	shalt  }
0x41: {  	_ =	shalt  }
0x42: {  	_ =	shalt  }
0x43: {  	_ =	shalt  }
0x44: {  	_ =	shalt  }
0x45: {  	_ =	shalt  }
0x46: {  	_ =	shalt  }
0x47: {  	_ =	shalt  }
0x48: {  	_ =	shalt  }
0x49: {  	_ =	shalt  }
0x4a: {  	_ =	shalt  }
0x4b: {  	_ =	shalt  }
0x4c: {  	_ =	shalt  }
0x4d: {  	_ =	shalt  }
0x4e: {  	_ =	shalt  }
0x4f: {  	_ =	shalt  }
0x50: {  	_ =	shalt  }
0x51: {  	_ =	shalt  }
0x52: {  	_ =	shalt  }
0x53: {  	_ =	shalt  }
0x54: {  	_ =	shalt  }
0x55: {  	_ =	shalt  }
0x56: {  	_ =	shalt  }
0x57: {  	_ =	shalt  }
0x58: {  	_ =	shalt  }
0x59: {  	_ =	shalt  }
0x5a: {  	_ =	shalt  }
0x5b: {  	_ =	shalt  }
0x5c: {  	_ =	shalt  }
0x5d: {  	_ =	shalt  }
0x5e: {  	_ =	shalt  }
0x5f: {  	_ =	shalt  }
0x60: {  	_ =	shalt  }
0x61: {  	_ =	shalt  }
0x62: {  	_ =	shalt  }
0x63: {  	_ =	shalt  }
0x64: {  	_ =	shalt  }
0x65: {  	_ =	shalt  }
0x66: {  	_ =	shalt  }
0x67: {  	_ =	shalt  }
0x68: {  	_ =	shalt  }
0x69: {  	_ =	shalt  }
0x6a: {  	_ =	shalt  }
0x6b: {  	_ =	shalt  }
0x6c: {  	_ =	shalt  }
0x6d: {  	_ =	shalt  }
0x6e: {  	_ =	shalt  }
0x6f: {  	_ =	shalt  }
0x70: {  	_ =	shalt  }
0x71: {  	_ =	shalt  }
0x72: {  	_ =	shalt  }
0x73: {  	_ =	shalt  }
0x74: {  	_ =	shalt  }
0x75: {  	_ =	shalt  }
0x76: {  	_ =	shalt  }
0x77: {  	_ =	shalt  }
0x78: {  	_ =	shalt  }
0x79: {  	_ =	shalt  }
0x7a: {  	_ =	shalt  }
0x7b: {  	_ =	shalt  }
0x7c: {  	_ =	shalt  }
0x7d: {  	_ =	shalt  }
0x7e: {  	_ =	shalt  }
0x7f: {  	_ =	shalt  }
0x80: {  	_ =	shalt  }
0x81: {  	_ =	shalt  }
0x82: {  	_ =	shalt  }
0x83: {  	_ =	shalt  }
0x84: {  	_ =	shalt  }
0x85: {  	_ =	shalt  }
0x86: {  	_ =	shalt  }
0x87: {  	_ =	shalt  }
.Lfunc_end0:
.L_simem_size_0:
called_computation_lowered:
.L_overlay_start_0:
0x88: {  	s2 =	sld [smem:$0x3FD9]  }
0x89: {  	s3 =	sld [smem:$0x3FFE];
	_ =	sdelay $0x1  }
0x8a: {  	s1 =	srdreg.scid  }
0x8b: {  	s0 =	sand.u32 $0x1, s1  }
0x8c: {  	s17 =	sshll.u32 s0, $0xA;
	s2 =	sadd.s32 s3, s2  }
0x8d: {  	s2 =	sadd.s32 s2, s17  }
0x8e: {  	[smem:$0x3FBB] =	sst s2  }
0x8f: {  	_ = 	snop  }
0x90: {  	s2 =	sld [smem:$0x3FD0];
	(tm) =	ssettm $0x1  }
0x91: {  	s18 =	sld [smem:$0x3FFB];
	_ =	sdelay $0x3  }
0x92: {  	_ =	strace s18  }
0x93: {  	s3 =	sld [smem:$0x3FFC];
	_ =	sdelay $0x3  }
0x94: {  	_ =	strace s3  }
0x95: {  	s3 =	sld [smem:$0x3FFD];
	_ =	sdelay $0x3  }
0x96: {  	_ =	strace s3  }
0x97: {  	_ =	strace $0x8FFFFFFF  }
0x98: {  	s19 =	sld [smem:$0x3FDB];
	_ =	sdelay $0x1  }
0x99: {  	s4 =	simm.s32 $_scs_section_size  }
0x9a: {  	s5 =	simm.s32 $_size__tile_overlayer_lowered;
	s6 =	simm.s32 $_tile_overlayer_lowered  }
0x9b: {  	s22 =	simm.s32 $0x1BFF;
	s21 =	sshll.u32 s6, $0x1;
	s3 =	sadd.s32 s4, s19  }
0x9c: {  	s7 =	simm.s32 $0x0;
	s20 =	sshll.u32 s5, $0x1;
	s5 =	sadd.s32 s21, s3  }
0x9d: {  	[timem:s7], [sflag:s22] =	dma.local [hbm:s5], s20  }
0x9e: {  	_ =	swait.ge [sflag:s22], s20  }
0x9f: {  	s4 =	ssub.s32 $0x0, s20;
	[sflag:s22] =	ssyncset.done $0x0  }
0xa0: {  	[sflag:s22] =	ssyncadd.s32 s4;
	_ =	sdelay $0x1  }
0xa1: {  	s23 =	simm.s32 $0x1B8B  }
0xa2: {  	_ =	swait.ge [sflag:s23], $0x1  }
0xa3: {  	[sflag:s23] =	ssyncset.done $0x0  }
0xa4: {  	s25 =	simm.s32 $0x1B8E;
	s24 =	sld [smem:$0x3FFE];
	[sflag:s23] =	ssyncadd.s32 $0xFFFFFFFF  }
0xa5: {  	s26 =	simm.s32 $execute0_lowered;
	[smem:$0x3FD2] =	sst s25  }
0xa6: {  	s5 =	sshll.u32 s26, $0x1;
	_ =	strace $0x80000046;
	[dreg:$0x1] =	wrdreg $0xFFFFFFFF  }
0xa7: {  	s28 =	simm.s32 $_size_execute0_lowered;
	s3 =	sadd.s32 s3, s5;
	[dreg:$0x0] =	wrdreg $0x0  }
0xa8: {  	s5 =	sshll.u32 s28, $0x1;
	[dreg:$0x2] =	wrdreg s3  }
0xa9: {  	[dreg:$0x3] =	wrdreg s5  }
0xaa: {  	[dreg:$0x4] =	wrdreg $0xC0  }
0xab: {  	_ =	task [dreg:s7], $0x5FFFF  }
0xac: {  	[dreg:$0x1] =	wrdreg $0xFFFFFFFF  }
0xad: {  	[dreg:$0x0] =	wrdreg $0x60  }
0xae: {  	[dreg:$0x2] =	wrdreg s2  }
0xaf: {  	[dreg:$0x3] =	wrdreg s24  }
0xb0: {  	[dreg:$0x4] =	wrdreg $0x9  }
0xb1: {  	_ =	task.clear_ibuf [dreg:s7], $0x5FFFF;
	_ =	strace $0x90000046  }
0xb2: {  	s29 =	simm.s32 $0x9;
	_ =	strace $0x80000048  }
0xb3: {  	_ =	swait.ge [sflag:s29], $0x1  }
0xb4: {  	[sflag:s29] =	ssyncadd.s32 $0xFFFFFFFF  }
0xb5: {  	_ =	strace $0x90000048  }
0xb6: {  	_ =	sfence  }
0xb7: {  	s30 =	sld [smem:$0x0];
	_ =	sdelay $0x2  }
0xb8: {  	s31 =	sshll.u32 s1, $0xD;
	s1 =	sshrl.u32 s1, $0x2  }
0xb9: {  	s3 =	sand.u32 $0x4000, s31;
	s1 =	sadd.s32 s1, s30  }
0xba: {  	s0 =	sor.u32 s3, s0;
	s1 =	sshll.u32 s1, $0x11  }
0xbb: {  	s0 =	sor.u32 s1, s0  }
0xbc: {  	s0 =	sadd.s32 $0x8F2B, s0  }
0xbd: {  	[sflag:s0] =	ssyncadd.remote.s32 $0x1  }
0xbe: {  	_ =	sfence.sel $0xFFFF  }
0xbf: {  	[dreg:$0x0] =	wrdreg $0xFFFFFFFF;
	(pc) =	sbr.abs _section_cstart, $3  }
0xc0: {  	[dreg:$0x1] =	wrdreg $0xFFFFFFFF  }
0xc1: {  	_ =	task.clear_ibuf [dreg:s7], $0x2FFFF;
	_ =	strace $0x9FFFFFFF  }
0xc2: {  	(tm) =	ssettm $0x7FFFFFFF  }
0xc3: {  	_ =	shalt  }
tec
execute0_lowered:
.L_overlay_start_1:
0x0: {  	(tag) =	ssettag $0x1  }
0x1: {  	s2 =	rddreg [dreg:$0x0]  }
0x2: {  	s1 =	srdreg.scid;
	s0 =	stileid.u32  }
0x3: {  	s4 =	rddreg [dreg:$0x1];
	s3 =	simm.s32 $0x0;
	s11 =	simm.s32 $0x5  }
0x4: {  	s12 =	simm.s32 $0x70;
	s13 =	simm.s32 $0x800;
	s14 =	simm.s32 $0x80  }
0x5: {  	s15 =	simm.s32 $0x4000;
	s16 =	simm.s32 $0x1;
	s17 =	simm.s32 $0x3  }
0x6: {  	s18 =	simm.s32 $0x100;
	s19 =	simm.s32 $0x2;
	s28 =	simm.s32 $0x480  }
0x7: {  	s29 =	simm.s32 $0x500;
	s1 =	sand.u32 $0x1, s1;
	s5 =	sshll.u32 s0, $0x1  }
0x8: {  	s31 =	simm.s32 $0x600;
	[smem:$0x7FF] =	sst s3;
	s5 =	sor.u32 s1, s5  }
0x9: {  	_ =	strace $0x80000047;
	s1 =	ssub.s32 $0x2, s1;
	s6 =	smul.u32 $0x31000, s5  }
0xa: {  	s30 =	sshll.u32 s5, $0x8;
	s5 =	smul.u32 $0x6200, s5;
	s25 =	sshrl.u32 s1, $0x1  }
0xb: {  	s7 =	sadd.s32 s30, s4;
	s4 =	sadd.s32 $0x3200, s4;
	s1 =	ssub.s32 s1, s25  }
0xc: {  	s25 =	simm.s32 $0x380;
	s7 =	sadd.s32 $0x1200, s7;
	s6 =	sshrl.u32 s6, $0x3  }
0xd: {  	s5 =	sadd.s32 s4, s5;
	[dreg:$0x3] =	wrdreg s7;
	s9 =	sadd.s32 s4, s6  }
0xe: {  	v0 =	vmov s30;
	s30 =	simm.s32 $0x580;
	[dreg:$0x4] =	wrdreg s5;
	s4 =	sadd.s32 $0x700, s9  }
0xf: {  	s10 =	smax.u32 s1, $0x1;
	s20 =	sadd.s32 $0xE00, s9;
	[dreg:$0x5] =	wrdreg s4  }
0x10: {  	s1 =	simm.s32 $0x680;
	s21 =	sadd.s32 $0x1500, s9;
	[dreg:$0x6] =	wrdreg s20  }
0x11: {  	s22 =	sadd.s32 $0x1C00, s9;
	s23 =	sadd.s32 $0x2300, s9;
	[dreg:$0x7] =	wrdreg s21  }
0x12: {  	s24 =	sadd.s32 $0x2A00, s9;
	s26 =	sadd.s32 $0x3100, s9;
	[dreg:$0x8] =	wrdreg s22  }
0x13: {  	s5 =	sadd.s32 $0x3F00, s9;
	s6 =	sadd.s32 $0x4600, s9;
	[dreg:$0x9] =	wrdreg s23  }
0x14: {  	s7 =	sadd.s32 $0x4D00, s9;
	s8 =	sadd.s32 $0x5400, s9;
	[dreg:$0xa] =	wrdreg s24  }
0x15: {  	[dreg:$0xb] =	wrdreg s26;
	s4 =	sadd.s32 $0x3800, s9;
	s9 =	sadd.s32 $0x5B00, s9  }
0x16: {  	s20 =	simm.s32 $0x4;
	s21 =	simm.s32 $0x180;
	s22 =	simm.s32 $0x200  }
0x17: {  	s23 =	simm.s32 $0x280;
	s24 =	simm.s32 $0x300;
	s26 =	simm.s32 $0x400  }
.LBB2_1:
0x18: {  	s0 =	rddreg [dreg:$0x3]  }
0x19: {  	[tilespmem:s3], [sflag:$0x5] =	stream.linear.gather [hbm4b:s0+s3], $0x700, $0x38;
	[tilespmem:$0x7800] =	vst v63  }
0x1a: {  	_ =	swait.ge [sflag:s11], $0x700  }
0x1b: {  	[sflag:s11] =	ssyncset.done $0x0  }
0x1c: {  	[sflag:s11] =	ssyncadd.s32 $0xFFFFF900  }
0x1d: {  	v1 =	vld [tilespmem:$0x0]  }
0x1e: {  	v2 =	vld [tilespmem:$0x10]  }
0x1f: {  	v3 =	vld [tilespmem:$0x20]  }
0x20: {  	v4 =	vld [tilespmem:$0x30]  }
0x21: {  	v5 =	vld [tilespmem:$0x40]  }
0x22: {  	v6 =	vld [tilespmem:$0x50];
	v1 =	vadd.s32 v0, v1  }
0x23: {  	v2 =	vadd.s32 v0, v2;
	[tilespmem:$0x0] =	vst v1;
	v1 =	vld [tilespmem:$0x60]  }
0x24: {  	v3 =	vadd.s32 v0, v3;
	[tilespmem:$0x10] =	vst v2;
	v2 =	vld [tilespmem:$0x80]  }
0x25: {  	v4 =	vadd.s32 v0, v4;
	[tilespmem:$0x20] =	vst v3;
	v3 =	vld [tilespmem:$0x90]  }
0x26: {  	v19 =	vld [tilespmem:$0xA0];
	v5 =	vadd.s32 v0, v5;
	[tilespmem:$0x30] =	vst v4  }
0x27: {  	v20 =	vld [tilespmem:$0xB0];
	v6 =	vadd.s32 v0, v6;
	[tilespmem:$0x40] =	vst v5  }
0x28: {  	v21 =	vld [tilespmem:$0xC0];
	[tilespmem:$0x50] =	vst v6;
	v1 =	vadd.s32 v0, v1  }
0x29: {  	v2 =	vadd.s32 v0, v2;
	[tilespmem:$0x60] =	vst v1;
	v1 =	vld [tilespmem:$0xD0]  }
0x2a: {  	v3 =	vadd.s32 v0, v3;
	[tilespmem:$0x80] =	vst v2;
	v2 =	vld [tilespmem:$0xE0]  }
0x2b: {  	v4 =	vadd.s32 v0, v19;
	[tilespmem:$0x90] =	vst v3;
	v3 =	vld [tilespmem:$0x100]  }
0x2c: {  	v22 =	vld [tilespmem:$0x110];
	v5 =	vadd.s32 v0, v20;
	[tilespmem:$0xA0] =	vst v4  }
0x2d: {  	v23 =	vld [tilespmem:$0x120];
	v6 =	vadd.s32 v0, v21;
	[tilespmem:$0xB0] =	vst v5  }
0x2e: {  	v24 =	vld [tilespmem:$0x130];
	[tilespmem:$0xC0] =	vst v6;
	v1 =	vadd.s32 v0, v1  }
0x2f: {  	v2 =	vadd.s32 v0, v2;
	[tilespmem:$0xD0] =	vst v1;
	v1 =	vld [tilespmem:$0x140]  }
0x30: {  	v3 =	vadd.s32 v0, v3;
	[tilespmem:$0xE0] =	vst v2;
	v2 =	vld [tilespmem:$0x150]  }
0x31: {  	v4 =	vadd.s32 v0, v22;
	[tilespmem:$0x100] =	vst v3;
	v3 =	vld [tilespmem:$0x160]  }
0x32: {  	v25 =	vld [tilespmem:$0x180];
	v5 =	vadd.s32 v0, v23;
	[tilespmem:$0x110] =	vst v4  }
0x33: {  	v26 =	vld [tilespmem:$0x190];
	v6 =	vadd.s32 v0, v24;
	[tilespmem:$0x120] =	vst v5  }
0x34: {  	v27 =	vld [tilespmem:$0x1A0];
	[tilespmem:$0x130] =	vst v6;
	v1 =	vadd.s32 v0, v1  }
0x35: {  	v2 =	vadd.s32 v0, v2;
	[tilespmem:$0x140] =	vst v1;
	v1 =	vld [tilespmem:$0x1B0]  }
0x36: {  	v3 =	vadd.s32 v0, v3;
	[tilespmem:$0x150] =	vst v2;
	v2 =	vld [tilespmem:$0x1C0]  }
0x37: {  	v4 =	vadd.s32 v0, v25;
	[tilespmem:$0x160] =	vst v3;
	v3 =	vld [tilespmem:$0x1D0]  }
0x38: {  	v28 =	vld [tilespmem:$0x1E0];
	v5 =	vadd.s32 v0, v26;
	[tilespmem:$0x180] =	vst v4  }
0x39: {  	v29 =	vld [tilespmem:$0x200];
	v6 =	vadd.s32 v0, v27;
	[tilespmem:$0x190] =	vst v5  }
0x3a: {  	v30 =	vld [tilespmem:$0x210];
	[tilespmem:$0x1A0] =	vst v6;
	v1 =	vadd.s32 v0, v1  }
0x3b: {  	v2 =	vadd.s32 v0, v2;
	[tilespmem:$0x1B0] =	vst v1;
	v1 =	vld [tilespmem:$0x220]  }
0x3c: {  	v3 =	vadd.s32 v0, v3;
	[tilespmem:$0x1C0] =	vst v2;
	v2 =	vld [tilespmem:$0x230]  }
0x3d: {  	v4 =	vadd.s32 v0, v28;
	[tilespmem:$0x1D0] =	vst v3;
	v3 =	vld [tilespmem:$0x240]  }
0x3e: {  	v31 =	vld [tilespmem:$0x250];
	v5 =	vadd.s32 v0, v29;
	[tilespmem:$0x1E0] =	vst v4  }
0x3f: {  	v32 =	vld [tilespmem:$0x260];
	v6 =	vadd.s32 v0, v30;
	[tilespmem:$0x200] =	vst v5  }
0x40: {  	v33 =	vld [tilespmem:$0x280];
	[tilespmem:$0x210] =	vst v6;
	v1 =	vadd.s32 v0, v1  }
0x41: {  	v2 =	vadd.s32 v0, v2;
	[tilespmem:$0x220] =	vst v1;
	v1 =	vld [tilespmem:$0x290]  }
0x42: {  	v3 =	vadd.s32 v0, v3;
	[tilespmem:$0x230] =	vst v2;
	v2 =	vld [tilespmem:$0x2A0]  }
0x43: {  	v4 =	vadd.s32 v0, v31;
	[tilespmem:$0x240] =	vst v3;
	v3 =	vld [tilespmem:$0x2B0]  }
0x44: {  	v34 =	vld [tilespmem:$0x2C0];
	v5 =	vadd.s32 v0, v32;
	[tilespmem:$0x250] =	vst v4  }
0x45: {  	v35 =	vld [tilespmem:$0x2D0];
	v6 =	vadd.s32 v0, v33;
	[tilespmem:$0x260] =	vst v5  }
0x46: {  	v36 =	vld [tilespmem:$0x2E0];
	[tilespmem:$0x280] =	vst v6;
	v1 =	vadd.s32 v0, v1  }
0x47: {  	v2 =	vadd.s32 v0, v2;
	[tilespmem:$0x290] =	vst v1;
	v1 =	vld [tilespmem:$0x300]  }
0x48: {  	v3 =	vadd.s32 v0, v3;
	[tilespmem:$0x2A0] =	vst v2;
	v2 =	vld [tilespmem:$0x310]  }
0x49: {  	v4 =	vadd.s32 v0, v34;
	[tilespmem:$0x2B0] =	vst v3;
	v3 =	vld [tilespmem:$0x320]  }
0x4a: {  	v37 =	vld [tilespmem:$0x330];
	v5 =	vadd.s32 v0, v35;
	[tilespmem:$0x2C0] =	vst v4  }
0x4b: {  	v38 =	vld [tilespmem:$0x340];
	v6 =	vadd.s32 v0, v36;
	[tilespmem:$0x2D0] =	vst v5  }
0x4c: {  	v39 =	vld [tilespmem:$0x350];
	[tilespmem:$0x2E0] =	vst v6;
	v1 =	vadd.s32 v0, v1  }
0x4d: {  	v2 =	vadd.s32 v0, v2;
	[tilespmem:$0x300] =	vst v1;
	v1 =	vld [tilespmem:$0x360]  }
0x4e: {  	v3 =	vadd.s32 v0, v3;
	[tilespmem:$0x310] =	vst v2;
	v2 =	vld [tilespmem:$0x380]  }
0x4f: {  	v4 =	vadd.s32 v0, v37;
	[tilespmem:$0x320] =	vst v3;
	v3 =	vld [tilespmem:$0x390]  }
0x50: {  	v40 =	vld [tilespmem:$0x3A0];
	v5 =	vadd.s32 v0, v38;
	[tilespmem:$0x330] =	vst v4  }
0x51: {  	v41 =	vld [tilespmem:$0x3B0];
	v6 =	vadd.s32 v0, v39;
	[tilespmem:$0x340] =	vst v5  }
0x52: {  	v42 =	vld [tilespmem:$0x3C0];
	[tilespmem:$0x350] =	vst v6;
	v1 =	vadd.s32 v0, v1  }
0x53: {  	v2 =	vadd.s32 v0, v2;
	[tilespmem:$0x360] =	vst v1;
	v1 =	vld [tilespmem:$0x3D0]  }
0x54: {  	v3 =	vadd.s32 v0, v3;
	[tilespmem:$0x380] =	vst v2;
	v2 =	vld [tilespmem:$0x3E0]  }
0x55: {  	v4 =	vadd.s32 v0, v40;
	[tilespmem:$0x390] =	vst v3;
	v3 =	vld [tilespmem:$0x400]  }
0x56: {  	v43 =	vld [tilespmem:$0x410];
	v5 =	vadd.s32 v0, v41;
	[tilespmem:$0x3A0] =	vst v4  }
0x57: {  	v44 =	vld [tilespmem:$0x420];
	v6 =	vadd.s32 v0, v42;
	[tilespmem:$0x3B0] =	vst v5  }
0x58: {  	v45 =	vld [tilespmem:$0x430];
	[tilespmem:$0x3C0] =	vst v6;
	v1 =	vadd.s32 v0, v1  }
0x59: {  	v2 =	vadd.s32 v0, v2;
	[tilespmem:$0x3D0] =	vst v1;
	v1 =	vld [tilespmem:$0x440]  }
0x5a: {  	v3 =	vadd.s32 v0, v3;
	[tilespmem:$0x3E0] =	vst v2;
	v2 =	vld [tilespmem:$0x450]  }
0x5b: {  	v4 =	vadd.s32 v0, v43;
	[tilespmem:$0x400] =	vst v3;
	v3 =	vld [tilespmem:$0x460]  }
0x5c: {  	v46 =	vld [tilespmem:$0x480];
	v5 =	vadd.s32 v0, v44;
	[tilespmem:$0x410] =	vst v4  }
0x5d: {  	v47 =	vld [tilespmem:$0x490];
	v6 =	vadd.s32 v0, v45;
	[tilespmem:$0x420] =	vst v5  }
0x5e: {  	v48 =	vld [tilespmem:$0x4A0];
	[tilespmem:$0x430] =	vst v6;
	v1 =	vadd.s32 v0, v1  }
0x5f: {  	v2 =	vadd.s32 v0, v2;
	[tilespmem:$0x440] =	vst v1;
	v1 =	vld [tilespmem:$0x4B0]  }
0x60: {  	v3 =	vadd.s32 v0, v3;
	[tilespmem:$0x450] =	vst v2;
	v2 =	vld [tilespmem:$0x4C0]  }
0x61: {  	v4 =	vadd.s32 v0, v46;
	[tilespmem:$0x460] =	vst v3;
	v3 =	vld [tilespmem:$0x4D0]  }
0x62: {  	v49 =	vld [tilespmem:$0x4E0];
	v5 =	vadd.s32 v0, v47;
	[tilespmem:$0x480] =	vst v4  }
0x63: {  	v50 =	vld [tilespmem:$0x500];
	v6 =	vadd.s32 v0, v48;
	[tilespmem:$0x490] =	vst v5  }
0x64: {  	v51 =	vld [tilespmem:$0x510];
	[tilespmem:$0x4A0] =	vst v6;
	v1 =	vadd.s32 v0, v1  }
0x65: {  	v2 =	vadd.s32 v0, v2;
	[tilespmem:$0x4B0] =	vst v1;
	v1 =	vld [tilespmem:$0x520]  }
0x66: {  	v3 =	vadd.s32 v0, v3;
	[tilespmem:$0x4C0] =	vst v2;
	v2 =	vld [tilespmem:$0x530]  }
0x67: {  	v4 =	vadd.s32 v0, v49;
	[tilespmem:$0x4D0] =	vst v3;
	v3 =	vld [tilespmem:$0x540]  }
0x68: {  	v52 =	vld [tilespmem:$0x550];
	v5 =	vadd.s32 v0, v50;
	[tilespmem:$0x4E0] =	vst v4  }
0x69: {  	v53 =	vld [tilespmem:$0x560];
	v6 =	vadd.s32 v0, v51;
	[tilespmem:$0x500] =	vst v5  }
0x6a: {  	v54 =	vld [tilespmem:$0x580];
	[tilespmem:$0x510] =	vst v6;
	v1 =	vadd.s32 v0, v1  }
0x6b: {  	v2 =	vadd.s32 v0, v2;
	[tilespmem:$0x520] =	vst v1;
	v1 =	vld [tilespmem:$0x590]  }
0x6c: {  	v3 =	vadd.s32 v0, v3;
	[tilespmem:$0x530] =	vst v2;
	v2 =	vld [tilespmem:$0x5A0]  }
0x6d: {  	v4 =	vadd.s32 v0, v52;
	[tilespmem:$0x540] =	vst v3;
	v3 =	vld [tilespmem:$0x5B0]  }
0x6e: {  	v55 =	vld [tilespmem:$0x5C0];
	v5 =	vadd.s32 v0, v53;
	[tilespmem:$0x550] =	vst v4  }
0x6f: {  	v56 =	vld [tilespmem:$0x5D0];
	v6 =	vadd.s32 v0, v54;
	[tilespmem:$0x560] =	vst v5  }
0x70: {  	v57 =	vld [tilespmem:$0x5E0];
	[tilespmem:$0x580] =	vst v6;
	v1 =	vadd.s32 v0, v1  }
0x71: {  	v2 =	vadd.s32 v0, v2;
	[tilespmem:$0x590] =	vst v1;
	v1 =	vld [tilespmem:$0x600]  }
0x72: {  	v3 =	vadd.s32 v0, v3;
	[tilespmem:$0x5A0] =	vst v2;
	v2 =	vld [tilespmem:$0x610]  }
0x73: {  	v4 =	vadd.s32 v0, v55;
	[tilespmem:$0x5B0] =	vst v3;
	v3 =	vld [tilespmem:$0x620]  }
0x74: {  	v58 =	vld [tilespmem:$0x630];
	v5 =	vadd.s32 v0, v56;
	[tilespmem:$0x5C0] =	vst v4  }
0x75: {  	v59 =	vld [tilespmem:$0x640];
	v6 =	vadd.s32 v0, v57;
	[tilespmem:$0x5D0] =	vst v5  }
0x76: {  	v60 =	vld [tilespmem:$0x650];
	[tilespmem:$0x5E0] =	vst v6;
	v1 =	vadd.s32 v0, v1  }
0x77: {  	v2 =	vadd.s32 v0, v2;
	[tilespmem:$0x600] =	vst v1;
	v1 =	vld [tilespmem:$0x660]  }
0x78: {  	v3 =	vadd.s32 v0, v3;
	[tilespmem:$0x610] =	vst v2;
	v2 =	vld [tilespmem:$0x680]  }
0x79: {  	v4 =	vadd.s32 v0, v58;
	[tilespmem:$0x620] =	vst v3;
	v3 =	vld [tilespmem:$0x690]  }
0x7a: {  	v61 =	vld [tilespmem:$0x6A0];
	v5 =	vadd.s32 v0, v59;
	[tilespmem:$0x630] =	vst v4  }
0x7b: {  	v62 =	vld [tilespmem:$0x6B0];
	v6 =	vadd.s32 v0, v60;
	[tilespmem:$0x640] =	vst v5  }
0x7c: {  	v63 =	vld [tilespmem:$0x6C0];
	[tilespmem:$0x650] =	vst v6;
	v1 =	vadd.s32 v0, v1  }
0x7d: {  	v2 =	vadd.s32 v0, v2;
	[tilespmem:$0x660] =	vst v1;
	v1 =	vld [tilespmem:$0x6D0]  }
0x7e: {  	v3 =	vadd.s32 v0, v3;
	[tilespmem:$0x680] =	vst v2;
	v2 =	vld [tilespmem:$0x6E0]  }
0x7f: {  	[tilespmem:$0x690] =	vst v3;
	v3 =	vadd.s32 v0, v61  }
0x80: {  	[tilespmem:$0x6A0] =	vst v3;
	v3 =	vadd.s32 v0, v62  }
0x81: {  	[tilespmem:$0x6B0] =	vst v3;
	v3 =	vadd.s32 v0, v63  }
0x82: {  	[tilespmem:$0x6C0] =	vst v3;
	v1 =	vadd.s32 v0, v1  }
0x83: {  	[tilespmem:$0x6D0] =	vst v1;
	v1 =	vadd.s32 v0, v2  }
0x84: {  	[tilespmem:$0x6E0] =	vst v1  }
0x85: {  	[tilespmem:s13], [sflag:$0x1] =	stream.indirect.gather [hbm4b:s2+s12], $0x80, s3, s12, $0xb8;
	[tilespmem:$0x7800] =	vst v63  }
0x86: {  	_ = 	snop  }
0x87: {  	[tilespmem:s15], [sflag:$0x2] =	stream.indirect.gather [hbm4b:s2+s12], $0x80, s14, s12, $0xb8;
	[tilespmem:$0x7800] =	vst v63  }
0x88: {  	_ =	swait.ge [sflag:s16], $0x3800  }
0x89: {  	[sflag:s16] =	ssyncset.done $0x0  }
0x8a: {  	s0 =	rddreg [dreg:$0x4];
	[sflag:s16] =	ssyncadd.s32 $0xFFFFC800  }
0x8b: {  	[hbm4b:s0+s3] =	stream.linear.scatter [tilespmem:s13], [sflag:$0x3], $0x3800, $0x38;
	[tilespmem:$0x7800] =	vst v63  }
0x8c: {  	_ =	swait.ge [sflag:s17], $0x3800  }
0x8d: {  	[sflag:s17] =	ssyncset.done $0x0  }
0x8e: {  	[sflag:s17] =	ssyncadd.s32 $0xFFFFC800  }
0x8f: {  	[tilespmem:s13], [sflag:$0x1] =	stream.indirect.gather [hbm4b:s2+s12], $0x80, s18, s12, $0xb8;
	[tilespmem:$0x7800] =	vst v63  }
0x90: {  	_ =	swait.ge [sflag:s19], $0x3800  }
0x91: {  	[sflag:s19] =	ssyncset.done $0x0  }
0x92: {  	s0 =	rddreg [dreg:$0x5];
	[sflag:s19] =	ssyncadd.s32 $0xFFFFC800  }
0x93: {  	[hbm4b:s0+s3] =	stream.linear.scatter [tilespmem:s15], [sflag:$0x4], $0x3800, $0x38;
	[tilespmem:$0x7800] =	vst v63  }
0x94: {  	_ =	swait.ge [sflag:s20], $0x3800  }
0x95: {  	[sflag:s20] =	ssyncset.done $0x0  }
0x96: {  	[sflag:s20] =	ssyncadd.s32 $0xFFFFC800  }
0x97: {  	[tilespmem:s15], [sflag:$0x2] =	stream.indirect.gather [hbm4b:s2+s12], $0x80, s21, s12, $0xb8;
	[tilespmem:$0x7800] =	vst v63  }
0x98: {  	_ =	swait.ge [sflag:s16], $0x3800  }
0x99: {  	[sflag:s16] =	ssyncset.done $0x0  }
0x9a: {  	s0 =	rddreg [dreg:$0x6];
	[sflag:s16] =	ssyncadd.s32 $0xFFFFC800  }
0x9b: {  	[hbm4b:s0+s3] =	stream.linear.scatter [tilespmem:s13], [sflag:$0x3], $0x3800, $0x38;
	[tilespmem:$0x7800] =	vst v63  }
0x9c: {  	_ =	swait.ge [sflag:s17], $0x3800  }
0x9d: {  	[sflag:s17] =	ssyncset.done $0x0  }
0x9e: {  	[sflag:s17] =	ssyncadd.s32 $0xFFFFC800  }
0x9f: {  	[tilespmem:s13], [sflag:$0x1] =	stream.indirect.gather [hbm4b:s2+s12], $0x80, s22, s12, $0xb8;
	[tilespmem:$0x7800] =	vst v63  }
0xa0: {  	_ =	swait.ge [sflag:s19], $0x3800  }
0xa1: {  	[sflag:s19] =	ssyncset.done $0x0  }
0xa2: {  	s0 =	rddreg [dreg:$0x7];
	[sflag:s19] =	ssyncadd.s32 $0xFFFFC800  }
0xa3: {  	[hbm4b:s0+s3] =	stream.linear.scatter [tilespmem:s15], [sflag:$0x4], $0x3800, $0x38;
	[tilespmem:$0x7800] =	vst v63  }
0xa4: {  	_ =	swait.ge [sflag:s20], $0x3800  }
0xa5: {  	[sflag:s20] =	ssyncset.done $0x0  }
0xa6: {  	[sflag:s20] =	ssyncadd.s32 $0xFFFFC800  }
0xa7: {  	[tilespmem:s15], [sflag:$0x2] =	stream.indirect.gather [hbm4b:s2+s12], $0x80, s23, s12, $0xb8;
	[tilespmem:$0x7800] =	vst v63  }
0xa8: {  	_ =	swait.ge [sflag:s16], $0x3800  }
0xa9: {  	[sflag:s16] =	ssyncset.done $0x0  }
0xaa: {  	s0 =	rddreg [dreg:$0x8];
	[sflag:s16] =	ssyncadd.s32 $0xFFFFC800  }
0xab: {  	[hbm4b:s0+s3] =	stream.linear.scatter [tilespmem:s13], [sflag:$0x3], $0x3800, $0x38;
	[tilespmem:$0x7800] =	vst v63  }
0xac: {  	_ =	swait.ge [sflag:s17], $0x3800  }
0xad: {  	[sflag:s17] =	ssyncset.done $0x0  }
0xae: {  	[sflag:s17] =	ssyncadd.s32 $0xFFFFC800  }
0xaf: {  	[tilespmem:s13], [sflag:$0x1] =	stream.indirect.gather [hbm4b:s2+s12], $0x80, s24, s12, $0xb8;
	[tilespmem:$0x7800] =	vst v63  }
0xb0: {  	_ =	swait.ge [sflag:s19], $0x3800  }
0xb1: {  	[sflag:s19] =	ssyncset.done $0x0  }
0xb2: {  	s0 =	rddreg [dreg:$0x9];
	[sflag:s19] =	ssyncadd.s32 $0xFFFFC800  }
0xb3: {  	[hbm4b:s0+s3] =	stream.linear.scatter [tilespmem:s15], [sflag:$0x4], $0x3800, $0x38;
	[tilespmem:$0x7800] =	vst v63  }
0xb4: {  	_ =	swait.ge [sflag:s20], $0x3800  }
0xb5: {  	[sflag:s20] =	ssyncset.done $0x0  }
0xb6: {  	[sflag:s20] =	ssyncadd.s32 $0xFFFFC800  }
0xb7: {  	[tilespmem:s15], [sflag:$0x2] =	stream.indirect.gather [hbm4b:s2+s12], $0x80, s25, s12, $0xb8;
	[tilespmem:$0x7800] =	vst v63  }
0xb8: {  	_ =	swait.ge [sflag:s16], $0x3800  }
0xb9: {  	[sflag:s16] =	ssyncset.done $0x0  }
0xba: {  	s0 =	rddreg [dreg:$0xa];
	[sflag:s16] =	ssyncadd.s32 $0xFFFFC800  }
0xbb: {  	[hbm4b:s0+s3] =	stream.linear.scatter [tilespmem:s13], [sflag:$0x3], $0x3800, $0x38;
	[tilespmem:$0x7800] =	vst v63  }
0xbc: {  	_ =	swait.ge [sflag:s17], $0x3800  }
0xbd: {  	[sflag:s17] =	ssyncset.done $0x0  }
0xbe: {  	[sflag:s17] =	ssyncadd.s32 $0xFFFFC800  }
0xbf: {  	[tilespmem:s13], [sflag:$0x1] =	stream.indirect.gather [hbm4b:s2+s12], $0x80, s26, s12, $0xb8;
	[tilespmem:$0x7800] =	vst v63  }
0xc0: {  	_ =	swait.ge [sflag:s19], $0x3800  }
0xc1: {  	[sflag:s19] =	ssyncset.done $0x0  }
0xc2: {  	s0 =	rddreg [dreg:$0xb];
	[sflag:s19] =	ssyncadd.s32 $0xFFFFC800  }
0xc3: {  	[hbm4b:s0+s3] =	stream.linear.scatter [tilespmem:s15], [sflag:$0x4], $0x3800, $0x38;
	[tilespmem:$0x7800] =	vst v63  }
0xc4: {  	_ =	swait.ge [sflag:s20], $0x3800  }
0xc5: {  	[sflag:s20] =	ssyncset.done $0x0  }
0xc6: {  	[sflag:s20] =	ssyncadd.s32 $0xFFFFC800  }
0xc7: {  	[tilespmem:s15], [sflag:$0x2] =	stream.indirect.gather [hbm4b:s2+s12], $0x80, s28, s12, $0xb8;
	[tilespmem:$0x7800] =	vst v63  }
0xc8: {  	_ =	swait.ge [sflag:s16], $0x3800  }
0xc9: {  	[sflag:s16] =	ssyncset.done $0x0  }
0xca: {  	[sflag:s16] =	ssyncadd.s32 $0xFFFFC800  }
0xcb: {  	[hbm4b:s4+s3] =	stream.linear.scatter [tilespmem:s13], [sflag:$0x3], $0x3800, $0x38;
	[tilespmem:$0x7800] =	vst v63  }
0xcc: {  	_ =	swait.ge [sflag:s17], $0x3800  }
0xcd: {  	[sflag:s17] =	ssyncset.done $0x0  }
0xce: {  	[sflag:s17] =	ssyncadd.s32 $0xFFFFC800  }
0xcf: {  	[tilespmem:s13], [sflag:$0x1] =	stream.indirect.gather [hbm4b:s2+s12], $0x80, s29, s12, $0xb8;
	[tilespmem:$0x7800] =	vst v63  }
0xd0: {  	_ =	swait.ge [sflag:s19], $0x3800  }
0xd1: {  	[sflag:s19] =	ssyncset.done $0x0  }
0xd2: {  	[sflag:s19] =	ssyncadd.s32 $0xFFFFC800  }
0xd3: {  	[hbm4b:s5+s3] =	stream.linear.scatter [tilespmem:s15], [sflag:$0x4], $0x3800, $0x38;
	[tilespmem:$0x7800] =	vst v63  }
0xd4: {  	_ =	swait.ge [sflag:s20], $0x3800  }
0xd5: {  	[sflag:s20] =	ssyncset.done $0x0  }
0xd6: {  	[sflag:s20] =	ssyncadd.s32 $0xFFFFC800  }
0xd7: {  	[tilespmem:s15], [sflag:$0x2] =	stream.indirect.gather [hbm4b:s2+s12], $0x80, s30, s12, $0xb8;
	[tilespmem:$0x7800] =	vst v63  }
0xd8: {  	_ =	swait.ge [sflag:s16], $0x3800  }
0xd9: {  	[sflag:s16] =	ssyncset.done $0x0  }
0xda: {  	[sflag:s16] =	ssyncadd.s32 $0xFFFFC800  }
0xdb: {  	[hbm4b:s6+s3] =	stream.linear.scatter [tilespmem:s13], [sflag:$0x3], $0x3800, $0x38;
	[tilespmem:$0x7800] =	vst v63  }
0xdc: {  	_ =	swait.ge [sflag:s17], $0x3800  }
0xdd: {  	[sflag:s17] =	ssyncset.done $0x0  }
0xde: {  	[sflag:s17] =	ssyncadd.s32 $0xFFFFC800  }
0xdf: {  	[tilespmem:s13], [sflag:$0x1] =	stream.indirect.gather [hbm4b:s2+s12], $0x80, s31, s12, $0xb8;
	[tilespmem:$0x7800] =	vst v63  }
0xe0: {  	_ =	swait.ge [sflag:s19], $0x3800  }
0xe1: {  	[sflag:s19] =	ssyncset.done $0x0  }
0xe2: {  	[sflag:s19] =	ssyncadd.s32 $0xFFFFC800  }
0xe3: {  	[hbm4b:s7+s3] =	stream.linear.scatter [tilespmem:s15], [sflag:$0x4], $0x3800, $0x38;
	[tilespmem:$0x7800] =	vst v63  }
0xe4: {  	_ =	swait.ge [sflag:s20], $0x3800  }
0xe5: {  	[sflag:s20] =	ssyncset.done $0x0  }
0xe6: {  	[sflag:s20] =	ssyncadd.s32 $0xFFFFC800  }
0xe7: {  	[tilespmem:s15], [sflag:$0x2] =	stream.indirect.gather [hbm4b:s2+s12], $0x80, s1, s12, $0xb8;
	[tilespmem:$0x7800] =	vst v63  }
0xe8: {  	_ =	swait.ge [sflag:s16], $0x3800  }
0xe9: {  	[sflag:s16] =	ssyncset.done $0x0  }
0xea: {  	[sflag:s16] =	ssyncadd.s32 $0xFFFFC800  }
0xeb: {  	[hbm4b:s8+s3] =	stream.linear.scatter [tilespmem:s13], [sflag:$0x3], $0x3800, $0x38;
	[tilespmem:$0x7800] =	vst v63  }
0xec: {  	_ =	swait.ge [sflag:s19], $0x3800  }
0xed: {  	[sflag:s19] =	ssyncset.done $0x0  }
0xee: {  	[sflag:s19] =	ssyncadd.s32 $0xFFFFC800  }
0xef: {  	[hbm4b:s9+s3] =	stream.linear.scatter [tilespmem:s15], [sflag:$0x4], $0x3800, $0x38;
	[tilespmem:$0x7800] =	vst v63  }
0xf0: {  	p0 =	sne.s32 s10, $0x1;
	_ =	swait.ge [sflag:s17], $0x3800  }
.Ltmp0:
0xf1: {  	[sflag:s17] =	ssyncset.done $0x0;
	(pc) =	sbr.rel @p0 .LBB2_1-.Ltmp0, $4  }
0xf2: {  	[sflag:s17] =	ssyncadd.s32 $0xFFFFC800  }
0xf3: {  	_ =	swait.ge [sflag:s20], $0x3800  }
0xf4: {  	[sflag:s20] =	ssyncset.done $0x0  }
0xf5: {  	s10 =	sadd.s32 $0xFFFFFFFF, s10;
	[sflag:s20] =	ssyncadd.s32 $0xFFFFC800  }
0xf6: {  	_ =	sfence.sel $0x180000  }
0xf7: {  	[bflag:$0x0] =	sbarrier.arrive $0xFFFF  }
0xf8: {  	_ =	strace $0x90000047  }
0xf9: {  	s0 =	stileid.u32;
	[bflag:$0x2] =	sbarrier.arrive $0xFFFF  }
0xfa: {  	p0 =	sne.s32 s0, $0x0;
	s0 =	rddreg [dreg:$0x2]  }
0xfb: {  	s0 =	sadd.s32 @!p0 $0x100000, s0  }
0xfc: {  	[sflag:s0] =	ssyncadd.tile.s32 @!p0 $0x1;
	_ =	shalt  }
.Lfunc_end2:
_tile_overlayer_lowered:
.L_overlay_start_2:
0xfd: {  	(tag) =	ssettag $0x2  }
0xfe: {  	s0 =	rddreg [dreg:$0x0];
	s2 =	stileid.u32  }
0xff: {  	s1 =	rddreg [dreg:$0x1];
	p0 =	sne.s32 s2, $0x0  }
0x100: {  	s3 =	rddreg [dreg:$0x2];
	[bflag:$0x3] =	sbarrier.arrive $0xFFFF;
	s2 =	simm.s32 @!p0 $0x1C05  }
0x101: {  	[timem:s3], [sflag:s2] =	dma.local @!p0 [hbm:s0], s1  }
0x102: {  	s0 =	simm.s32 @!p0 $0x5  }
0x103: {  	_ =	swait.ge @!p0 [sflag:s0], s1  }
0x104: {  	s1 =	ssub.s32 @!p0 $0x0, s1;
	[sflag:s0] =	ssyncset.done @!p0 $0x0  }
0x105: {  	[sflag:s0] =	ssyncadd.s32 @!p0 s1  }
0x106: {  	[bflag:$0x3] =	sbarrier.arrive $0xFFFF  }
0x107: {  	_ =	shalt  }

</sc_bundles>
